<compile_context>
chip_gen: v7x
topology: tpu7x:2x2x1
jax: 0.10.2.dev20260603
libtpu: 0.0.44.dev20260713+nightly
codegen_flags: <defaults>
</compile_context>

<pallas_src>
import dataclasses

import jax
import jax.numpy as jnp
from jax import lax
from jax.experimental import pallas as pl
from jax.experimental.pallas import tpu as pltpu
from jax.experimental.pallas import tpu_sc as plsc

_B = 16384
_C = 1000
_NW = 32
_RPW = _B // _NW
_K = 32
_NG = _RPW // _K


def _sc_body(idx_hbm, out_hbm, idx_v, buf0, buf1, sems):
    wid = lax.axis_index("s") * 2 + lax.axis_index("c")
    base = wid * _RPW

    pltpu.sync_copy(idx_hbm.at[pl.ds(base, _RPW)], idx_v)

    zeros16 = jnp.zeros((16,), jnp.float32)
    ones16 = jnp.full((16,), 1.0, jnp.float32)
    iota16 = lax.iota(jnp.int32, 16)

    for buf in (buf0, buf1):
        @pl.loop(0, _K)
        def _zero_row(k, buf=buf):
            for off in range(0, 992, 16):
                buf[k, pl.ds(off, 16)] = zeros16
            buf[k, pl.ds(984, 16)] = zeros16

    bufs = (buf0, buf1)

    def scatter(buf, g, val16):
        for j in range(_K // 16):
            idx16 = idx_v[pl.ds(g * _K + j * 16, 16)]
            plsc.store_scatter(buf, [iota16 + j * 16, idx16], val16)

    for g in range(_NG):
        slot = g % 2
        buf = bufs[slot]
        if g >= 2:
            pltpu.make_async_copy(
                buf, out_hbm.at[pl.ds(base + (g - 2) * _K, _K)], sems.at[slot]
            ).wait()
            scatter(buf, g - 2, zeros16)
        scatter(buf, g, ones16)
        pltpu.async_copy(buf, out_hbm.at[pl.ds(base + g * _K, _K)], sems.at[slot])

    for g in (_NG - 2, _NG - 1):
        slot = g % 2
        pltpu.make_async_copy(
            bufs[slot], out_hbm.at[pl.ds(base + g * _K, _K)], sems.at[slot]
        ).wait()


def kernel(idxs):
    mesh = plsc.VectorSubcoreMesh(core_axis_name="c", subcore_axis_name="s")
    cp = pltpu.CompilerParams()
    if "needs_layout_passes" in pltpu.CompilerParams.__dataclass_fields__:
        cp = dataclasses.replace(cp, needs_layout_passes=False)
    sc_fn = pl.kernel(
        _sc_body,
        out_type=jax.ShapeDtypeStruct((_B, _C), jnp.float32),
        mesh=mesh,
        compiler_params=cp,
        scratch_types=[
            pltpu.VMEM((_RPW,), jnp.int32),
            pltpu.VMEM((_K, _C), jnp.float32),
            pltpu.VMEM((_K, _C), jnp.float32),
            pltpu.SemaphoreType.DMA((2,)),
        ],
    )
    return sc_fn(idxs.astype(jnp.int32))

# --- scband reference (transcript-rebuilt; emitter-appended) ---
"""Pipeline reference for scband-embedding-net-12841952215316 (READ-ONLY COPY).

The authoritative reference and input builder live on the scoring server;
editing this copy changes nothing except your own understanding.
"""

import jax, jax.numpy as jnp
import numpy as np

CONDITIONING_DIMENSION = 1000
BATCH = 16384

def setup_inputs(seed: int = 0) -> dict:
    key = jax.random.key(seed)
    idxs = jax.random.randint(key, (BATCH,), 0, CONDITIONING_DIMENSION, dtype=jnp.int64 if jax.config.jax_enable_x64 else jnp.int32)
    return {"idxs": idxs}

def reference(idxs) -> jnp.ndarray:
    # Faithful translation: zeros buffer [B, C], scatter-overwrite 1.0 at (arange(B), idxs)
    B = idxs.shape[0]
    conditioning_vector = jnp.zeros((B, CONDITIONING_DIMENSION), dtype=jnp.float32)
    conditioning_vector = conditioning_vector.at[jnp.arange(B), idxs].set(1.0)
    return conditioning_vector

if __name__ == "__main__":
    import jax
    _d = setup_inputs()
    print(jax.jit(kernel)(*tuple(_d.values())))

</pallas_src>

<mosaic_0001>
#map = affine_map<(d0, d1) -> (0)>
#map1 = affine_map<(d0, d1) -> (0, 0)>
module attributes {stable_mosaic.version = 14 : i64} {
  func.func @_sc_body(%arg0: i32, %arg1: i32, %arg2: memref<16384xi32, #tpu.memory_space<hbm>>, %arg3: memref<16384x1000xf32, #tpu.memory_space<hbm>>, %arg4: memref<512xi32, #tpu.memory_space<vmem>>, %arg5: memref<32x1000xf32, #tpu.memory_space<vmem>>, %arg6: memref<32x1000xf32, #tpu.memory_space<vmem>>, %arg7: memref<2x!tpu.dma_semaphore, #tpu.memory_space<semaphore_mem>>) attributes {dimension_semantics = [#tpu.dimension_semantics<core_parallel>, #tpu.dimension_semantics<subcore_parallel>], iteration_bounds = array<i64: 2, 16>, scalar_prefetch = 0 : i64, scratch_operands = 4 : i64, tpu.core_type = #tpu.core_type<sc_vector_subcore>, window_params = [{transform_indices = #map}, {transform_indices = #map1}]} {
    %mul3A = arith.constant 2 : i32
    %mul3A_0 = arith.muli %arg1, %mul3A : i32
    %add3A = arith.addi %mul3A_0, %arg0 : i32
    %mul3A_1 = arith.constant 512 : i32
    %mul3A_2 = arith.muli %add3A, %mul3A_1 : i32
    "tpu.region"() ({
      %run_scoped3A = tpu.sem_alloc : memref<!tpu.dma_semaphore, #tpu.memory_space<semaphore_mem>>
      %dma_start3A_600 = tpu.memref_slice %arg2[%mul3A_2] : memref<16384xi32, #tpu.memory_space<hbm>> -> memref<512xi32, #tpu.memory_space<hbm>>
      %dma_start3A_601 = tpu.memref_slice %arg2[%mul3A_2] : memref<16384xi32, #tpu.memory_space<hbm>> -> memref<512xi32, #tpu.memory_space<hbm>>
      tpu.enqueue_dma source(%dma_start3A_601 : memref<512xi32, #tpu.memory_space<hbm>>) target(%arg4 : memref<512xi32, #tpu.memory_space<vmem>>) target_semaphore(%run_scoped3A : memref<!tpu.dma_semaphore, #tpu.memory_space<semaphore_mem>>)
      %dma_wait3A_602 = tpu.memref_slice %arg2[%mul3A_2] : memref<16384xi32, #tpu.memory_space<hbm>> -> memref<512xi32, #tpu.memory_space<hbm>>
      %dma_wait3A_603 = tpu.memref_slice %arg2[%mul3A_2] : memref<16384xi32, #tpu.memory_space<hbm>> -> memref<512xi32, #tpu.memory_space<hbm>>
      tpu.wait_dma2 semaphore(%run_scoped3A : memref<!tpu.dma_semaphore, #tpu.memory_space<semaphore_mem>>) src(%dma_wait3A_603 : memref<512xi32, #tpu.memory_space<hbm>>) dst(%arg4 : memref<512xi32, #tpu.memory_space<vmem>>)
      tpu.yield
    }) : () -> ()
    %broadcast_in_dim3A = arith.constant 0.000000e+00 : f32
    %broadcast_in_dim3A_3 = vector.broadcast %broadcast_in_dim3A : f32 to vector<16xf32>
    %broadcast_in_dim3A_4 = arith.constant 1.000000e+00 : f32
    %broadcast_in_dim3A_5 = vector.broadcast %broadcast_in_dim3A_4 : f32 to vector<16xf32>
    %iota3A = tpu.iota {dimensions = array<i32: 0>} : vector<16xi32>
    %scan3A = arith.constant 0 : i32
    %scan3A_6 = arith.constant 32 : i32
    %scan3A_7 = arith.addi %scan3A, %scan3A_6 : i32
    %scan3A_8 = arith.constant 1 : i32
    scf.for %scan3A_600 = %scan3A to %scan3A_7 step %scan3A_8  : i32 {
      %mul3A_601 = arith.constant 1 : i32
      %mul3A_602 = arith.muli %scan3A_600, %mul3A_601 : i32
      %add3A_603 = arith.constant 0 : i32
      %add3A_604 = arith.addi %add3A_603, %mul3A_602 : i32
      %swap3A = arith.index_cast %add3A_604 : i32 to index
      %swap3A_605 = arith.constant 0 : index
      %swap3A_606 = tpu.vector_load %arg5[%swap3A, %swap3A_605] {strides = array<i32>} : memref<32x1000xf32, #tpu.memory_space<vmem>>, vector<16xf32>,
      tpu.vector_store %arg5[%swap3A, %swap3A_605], %broadcast_in_dim3A_3 {strides = array<i32>} : memref<32x1000xf32, #tpu.memory_space<vmem>>, vector<16xf32>,
      %swap3A_607 = arith.index_cast %add3A_604 : i32 to index
      %swap3A_608 = arith.constant 16 : index
      %swap3A_609 = tpu.vector_load %arg5[%swap3A_607, %swap3A_608] {strides = array<i32>} : memref<32x1000xf32, #tpu.memory_space<vmem>>, vector<16xf32>,
      tpu.vector_store %arg5[%swap3A_607, %swap3A_608], %broadcast_in_dim3A_3 {strides = array<i32>} : memref<32x1000xf32, #tpu.memory_space<vmem>>, vector<16xf32>,
      %swap3A_610 = arith.index_cast %add3A_604 : i32 to index
      %swap3A_611 = arith.constant 32 : index
      %swap3A_612 = tpu.vector_load %arg5[%swap3A_610, %swap3A_611] {strides = array<i32>} : memref<32x1000xf32, #tpu.memory_space<vmem>>, vector<16xf32>,
      tpu.vector_store %arg5[%swap3A_610, %swap3A_611], %broadcast_in_dim3A_3 {strides = array<i32>} : memref<32x1000xf32, #tpu.memory_space<vmem>>, vector<16xf32>,
      %swap3A_613 = arith.index_cast %add3A_604 : i32 to index
      %swap3A_614 = arith.constant 48 : index
      %swap3A_615 = tpu.vector_load %arg5[%swap3A_613, %swap3A_614] {strides = array<i32>} : memref<32x1000xf32, #tpu.memory_space<vmem>>, vector<16xf32>,
      tpu.vector_store %arg5[%swap3A_613, %swap3A_614], %broadcast_in_dim3A_3 {strides = array<i32>} : memref<32x1000xf32, #tpu.memory_space<vmem>>, vector<16xf32>,
      %swap3A_616 = arith.index_cast %add3A_604 : i32 to index
      %swap3A_617 = arith.constant 64 : index
      %swap3A_618 = tpu.vector_load %arg5[%swap3A_616, %swap3A_617] {strides = array<i32>} : memref<32x1000xf32, #tpu.memory_space<vmem>>, vector<16xf32>,
      tpu.vector_store %arg5[%swap3A_616, %swap3A_617], %broadcast_in_dim3A_3 {strides = array<i32>} : memref<32x1000xf32, #tpu.memory_space<vmem>>, vector<16xf32>,
      %swap3A_619 = arith.index_cast %add3A_604 : i32 to index
      %swap3A_620 = arith.constant 80 : index
      %swap3A_621 = tpu.vector_load %arg5[%swap3A_619, %swap3A_620] {strides = array<i32>} : memref<32x1000xf32, #tpu.memory_space<vmem>>, vector<16xf32>,
      tpu.vector_store %arg5[%swap3A_619, %swap3A_620], %broadcast_in_dim3A_3 {strides = array<i32>} : memref<32x1000xf32, #tpu.memory_space<vmem>>, vector<16xf32>,
      %swap3A_622 = arith.index_cast %add3A_604 : i32 to index
      %swap3A_623 = arith.constant 96 : index
      %swap3A_624 = tpu.vector_load %arg5[%swap3A_622, %swap3A_623] {strides = array<i32>} : memref<32x1000xf32, #tpu.memory_space<vmem>>, vector<16xf32>,
      tpu.vector_store %arg5[%swap3A_622, %swap3A_623], %broadcast_in_dim3A_3 {strides = array<i32>} : memref<32x1000xf32, #tpu.memory_space<vmem>>, vector<16xf32>,
      %swap3A_625 = arith.index_cast %add3A_604 : i32 to index
      %swap3A_626 = arith.constant 112 : index
      %swap3A_627 = tpu.vector_load %arg5[%swap3A_625, %swap3A_626] {strides = array<i32>} : memref<32x1000xf32, #tpu.memory_space<vmem>>, vector<16xf32>,
      tpu.vector_store %arg5[%swap3A_625, %swap3A_626], %broadcast_in_dim3A_3 {strides = array<i32>} : memref<32x1000xf32, #tpu.memory_space<vmem>>, vector<16xf32>,
      %swap3A_628 = arith.index_cast %add3A_604 : i32 to index
      %swap3A_629 = arith.constant 128 : index
      %swap3A_630 = tpu.vector_load %arg5[%swap3A_628, %swap3A_629] {strides = array<i32>} : memref<32x1000xf32, #tpu.memory_space<vmem>>, vector<16xf32>,
      tpu.vector_store %arg5[%swap3A_628, %swap3A_629], %broadcast_in_dim3A_3 {strides = array<i32>} : memref<32x1000xf32, #tpu.memory_space<vmem>>, vector<16xf32>,
      %swap3A_631 = arith.index_cast %add3A_604 : i32 to index
      %swap3A_632 = arith.constant 144 : index
      %swap3A_633 = tpu.vector_load %arg5[%swap3A_631, %swap3A_632] {strides = array<i32>} : memref<32x1000xf32, #tpu.memory_space<vmem>>, vector<16xf32>,
      tpu.vector_store %arg5[%swap3A_631, %swap3A_632], %broadcast_in_dim3A_3 {strides = array<i32>} : memref<32x1000xf32, #tpu.memory_space<vmem>>, vector<16xf32>,
      %swap3A_634 = arith.index_cast %add3A_604 : i32 to index
      %swap3A_635 = arith.constant 160 : index
      %swap3A_636 = tpu.vector_load %arg5[%swap3A_634, %swap3A_635] {strides = array<i32>} : memref<32x1000xf32, #tpu.memory_space<vmem>>, vector<16xf32>,
      tpu.vector_store %arg5[%swap3A_634, %swap3A_635], %broadcast_in_dim3A_3 {strides = array<i32>} : memref<32x1000xf32, #tpu.memory_space<vmem>>, vector<16xf32>,
      %swap3A_637 = arith.index_cast %add3A_604 : i32 to index
      %swap3A_638 = arith.constant 176 : index
      %swap3A_639 = tpu.vector_load %arg5[%swap3A_637, %swap3A_638] {strides = array<i32>} : memref<32x1000xf32, #tpu.memory_space<vmem>>, vector<16xf32>,
      tpu.vector_store %arg5[%swap3A_637, %swap3A_638], %broadcast_in_dim3A_3 {strides = array<i32>} : memref<32x1000xf32, #tpu.memory_space<vmem>>, vector<16xf32>,
      %swap3A_640 = arith.index_cast %add3A_604 : i32 to index
      %swap3A_641 = arith.constant 192 : index
      %swap3A_642 = tpu.vector_load %arg5[%swap3A_640, %swap3A_641] {strides = array<i32>} : memref<32x1000xf32, #tpu.memory_space<vmem>>, vector<16xf32>,
      tpu.vector_store %arg5[%swap3A_640, %swap3A_641], %broadcast_in_dim3A_3 {strides = array<i32>} : memref<32x1000xf32, #tpu.memory_space<vmem>>, vector<16xf32>,
      %swap3A_643 = arith.index_cast %add3A_604 : i32 to index
      %swap3A_644 = arith.constant 208 : index
      %swap3A_645 = tpu.vector_load %arg5[%swap3A_643, %swap3A_644] {strides = array<i32>} : memref<32x1000xf32, #tpu.memory_space<vmem>>, vector<16xf32>,
      tpu.vector_store %arg5[%swap3A_643, %swap3A_644], %broadcast_in_dim3A_3 {strides = array<i32>} : memref<32x1000xf32, #tpu.memory_space<vmem>>, vector<16xf32>,
      %swap3A_646 = arith.index_cast %add3A_604 : i32 to index
      %swap3A_647 = arith.constant 224 : index
      %swap3A_648 = tpu.vector_load %arg5[%swap3A_646, %swap3A_647] {strides = array<i32>} : memref<32x1000xf32, #tpu.memory_space<vmem>>, vector<16xf32>,
      tpu.vector_store %arg5[%swap3A_646, %swap3A_647], %broadcast_in_dim3A_3 {strides = array<i32>} : memref<32x1000xf32, #tpu.memory_space<vmem>>, vector<16xf32>,
      %swap3A_649 = arith.index_cast %add3A_604 : i32 to index
      %swap3A_650 = arith.constant 240 : index
      %swap3A_651 = tpu.vector_load %arg5[%swap3A_649, %swap3A_650] {strides = array<i32>} : memref<32x1000xf32, #tpu.memory_space<vmem>>, vector<16xf32>,
      tpu.vector_store %arg5[%swap3A_649, %swap3A_650], %broadcast_in_dim3A_3 {strides = array<i32>} : memref<32x1000xf32, #tpu.memory_space<vmem>>, vector<16xf32>,
      %swap3A_652 = arith.index_cast %add3A_604 : i32 to index
      %swap3A_653 = arith.constant 256 : index
      %swap3A_654 = tpu.vector_load %arg5[%swap3A_652, %swap3A_653] {strides = array<i32>} : memref<32x1000xf32, #tpu.memory_space<vmem>>, vector<16xf32>,
      tpu.vector_store %arg5[%swap3A_652, %swap3A_653], %broadcast_in_dim3A_3 {strides = array<i32>} : memref<32x1000xf32, #tpu.memory_space<vmem>>, vector<16xf32>,
      %swap3A_655 = arith.index_cast %add3A_604 : i32 to index
      %swap3A_656 = arith.constant 272 : index
      %swap3A_657 = tpu.vector_load %arg5[%swap3A_655, %swap3A_656] {strides = array<i32>} : memref<32x1000xf32, #tpu.memory_space<vmem>>, vector<16xf32>,
      tpu.vector_store %arg5[%swap3A_655, %swap3A_656], %broadcast_in_dim3A_3 {strides = array<i32>} : memref<32x1000xf32, #tpu.memory_space<vmem>>, vector<16xf32>,
      %swap3A_658 = arith.index_cast %add3A_604 : i32 to index
      %swap3A_659 = arith.constant 288 : index
      %swap3A_660 = tpu.vector_load %arg5[%swap3A_658, %swap3A_659] {strides = array<i32>} : memref<32x1000xf32, #tpu.memory_space<vmem>>, vector<16xf32>,
      tpu.vector_store %arg5[%swap3A_658, %swap3A_659], %broadcast_in_dim3A_3 {strides = array<i32>} : memref<32x1000xf32, #tpu.memory_space<vmem>>, vector<16xf32>,
      %swap3A_661 = arith.index_cast %add3A_604 : i32 to index
      %swap3A_662 = arith.constant 304 : index
      %swap3A_663 = tpu.vector_load %arg5[%swap3A_661, %swap3A_662] {strides = array<i32>} : memref<32x1000xf32, #tpu.memory_space<vmem>>, vector<16xf32>,
      tpu.vector_store %arg5[%swap3A_661, %swap3A_662], %broadcast_in_dim3A_3 {strides = array<i32>} : memref<32x1000xf32, #tpu.memory_space<vmem>>, vector<16xf32>,
      %swap3A_664 = arith.index_cast %add3A_604 : i32 to index
      %swap3A_665 = arith.constant 320 : index
      %swap3A_666 = tpu.vector_load %arg5[%swap3A_664, %swap3A_665] {strides = array<i32>} : memref<32x1000xf32, #tpu.memory_space<vmem>>, vector<16xf32>,
      tpu.vector_store %arg5[%swap3A_664, %swap3A_665], %broadcast_in_dim3A_3 {strides = array<i32>} : memref<32x1000xf32, #tpu.memory_space<vmem>>, vector<16xf32>,
      %swap3A_667 = arith.index_cast %add3A_604 : i32 to index
      %swap3A_668 = arith.constant 336 : index
      %swap3A_669 = tpu.vector_load %arg5[%swap3A_667, %swap3A_668] {strides = array<i32>} : memref<32x1000xf32, #tpu.memory_space<vmem>>, vector<16xf32>,
      tpu.vector_store %arg5[%swap3A_667, %swap3A_668], %broadcast_in_dim3A_3 {strides = array<i32>} : memref<32x1000xf32, #tpu.memory_space<vmem>>, vector<16xf32>,
      %swap3A_670 = arith.index_cast %add3A_604 : i32 to index
      %swap3A_671 = arith.constant 352 : index
      %swap3A_672 = tpu.vector_load %arg5[%swap3A_670, %swap3A_671] {strides = array<i32>} : memref<32x1000xf32, #tpu.memory_space<vmem>>, vector<16xf32>,
      tpu.vector_store %arg5[%swap3A_670, %swap3A_671], %broadcast_in_dim3A_3 {strides = array<i32>} : memref<32x1000xf32, #tpu.memory_space<vmem>>, vector<16xf32>,
      %swap3A_673 = arith.index_cast %add3A_604 : i32 to index
      %swap3A_674 = arith.constant 368 : index
      %swap3A_675 = tpu.vector_load %arg5[%swap3A_673, %swap3A_674] {strides = array<i32>} : memref<32x1000xf32, #tpu.memory_space<vmem>>, vector<16xf32>,
      tpu.vector_store %arg5[%swap3A_673, %swap3A_674], %broadcast_in_dim3A_3 {strides = array<i32>} : memref<32x1000xf32, #tpu.memory_space<vmem>>, vector<16xf32>,
      %swap3A_676 = arith.index_cast %add3A_604 : i32 to index
      %swap3A_677 = arith.constant 384 : index
      %swap3A_678 = tpu.vector_load %arg5[%swap3A_676, %swap3A_677] {strides = array<i32>} : memref<32x1000xf32, #tpu.memory_space<vmem>>, vector<16xf32>,
      tpu.vector_store %arg5[%swap3A_676, %swap3A_677], %broadcast_in_dim3A_3 {strides = array<i32>} : memref<32x1000xf32, #tpu.memory_space<vmem>>, vector<16xf32>,
      %swap3A_679 = arith.index_cast %add3A_604 : i32 to index
      %swap3A_680 = arith.constant 400 : index
      %swap3A_681 = tpu.vector_load %arg5[%swap3A_679, %swap3A_680] {strides = array<i32>} : memref<32x1000xf32, #tpu.memory_space<vmem>>, vector<16xf32>,
      tpu.vector_store %arg5[%swap3A_679, %swap3A_680], %broadcast_in_dim3A_3 {strides = array<i32>} : memref<32x1000xf32, #tpu.memory_space<vmem>>, vector<16xf32>,
      %swap3A_682 = arith.index_cast %add3A_604 : i32 to index
      %swap3A_683 = arith.constant 416 : index
      %swap3A_684 = tpu.vector_load %arg5[%swap3A_682, %swap3A_683] {strides = array<i32>} : memref<32x1000xf32, #tpu.memory_space<vmem>>, vector<16xf32>,
      tpu.vector_store %arg5[%swap3A_682, %swap3A_683], %broadcast_in_dim3A_3 {strides = array<i32>} : memref<32x1000xf32, #tpu.memory_space<vmem>>, vector<16xf32>,
      %swap3A_685 = arith.index_cast %add3A_604 : i32 to index
      %swap3A_686 = arith.constant 432 : index
      %swap3A_687 = tpu.vector_load %arg5[%swap3A_685, %swap3A_686] {strides = array<i32>} : memref<32x1000xf32, #tpu.memory_space<vmem>>, vector<16xf32>,
      tpu.vector_store %arg5[%swap3A_685, %swap3A_686], %broadcast_in_dim3A_3 {strides = array<i32>} : memref<32x1000xf32, #tpu.memory_space<vmem>>, vector<16xf32>,
      %swap3A_688 = arith.index_cast %add3A_604 : i32 to index
      %swap3A_689 = arith.constant 448 : index
      %swap3A_690 = tpu.vector_load %arg5[%swap3A_688, %swap3A_689] {strides = array<i32>} : memref<32x1000xf32, #tpu.memory_space<vmem>>, vector<16xf32>,
      tpu.vector_store %arg5[%swap3A_688, %swap3A_689], %broadcast_in_dim3A_3 {strides = array<i32>} : memref<32x1000xf32, #tpu.memory_space<vmem>>, vector<16xf32>,
      %swap3A_691 = arith.index_cast %add3A_604 : i32 to index
      %swap3A_692 = arith.constant 464 : index
      %swap3A_693 = tpu.vector_load %arg5[%swap3A_691, %swap3A_692] {strides = array<i32>} : memref<32x1000xf32, #tpu.memory_space<vmem>>, vector<16xf32>,
      tpu.vector_store %arg5[%swap3A_691, %swap3A_692], %broadcast_in_dim3A_3 {strides = array<i32>} : memref<32x1000xf32, #tpu.memory_space<vmem>>, vector<16xf32>,
      %swap3A_694 = arith.index_cast %add3A_604 : i32 to index
      %swap3A_695 = arith.constant 480 : index
      %swap3A_696 = tpu.vector_load %arg5[%swap3A_694, %swap3A_695] {strides = array<i32>} : memref<32x1000xf32, #tpu.memory_space<vmem>>, vector<16xf32>,
      tpu.vector_store %arg5[%swap3A_694, %swap3A_695], %broadcast_in_dim3A_3 {strides = array<i32>} : memref<32x1000xf32, #tpu.memory_space<vmem>>, vector<16xf32>,
      %swap3A_697 = arith.index_cast %add3A_604 : i32 to index
      %swap3A_698 = arith.constant 496 : index
      %swap3A_699 = tpu.vector_load %arg5[%swap3A_697, %swap3A_698] {strides = array<i32>} : memref<32x1000xf32, #tpu.memory_space<vmem>>, vector<16xf32>,
      tpu.vector_store %arg5[%swap3A_697, %swap3A_698], %broadcast_in_dim3A_3 {strides = array<i32>} : memref<32x1000xf32, #tpu.memory_space<vmem>>, vector<16xf32>,
      %swap3A_700 = arith.index_cast %add3A_604 : i32 to index
      %swap3A_701 = arith.constant 512 : index
      %swap3A_702 = tpu.vector_load %arg5[%swap3A_700, %swap3A_701] {strides = array<i32>} : memref<32x1000xf32, #tpu.memory_space<vmem>>, vector<16xf32>,
      tpu.vector_store %arg5[%swap3A_700, %swap3A_701], %broadcast_in_dim3A_3 {strides = array<i32>} : memref<32x1000xf32, #tpu.memory_space<vmem>>, vector<16xf32>,
      %swap3A_703 = arith.index_cast %add3A_604 : i32 to index
      %swap3A_704 = arith.constant 528 : index
      %swap3A_705 = tpu.vector_load %arg5[%swap3A_703, %swap3A_704] {strides = array<i32>} : memref<32x1000xf32, #tpu.memory_space<vmem>>, vector<16xf32>,
      tpu.vector_store %arg5[%swap3A_703, %swap3A_704], %broadcast_in_dim3A_3 {strides = array<i32>} : memref<32x1000xf32, #tpu.memory_space<vmem>>, vector<16xf32>,
      %swap3A_706 = arith.index_cast %add3A_604 : i32 to index
      %swap3A_707 = arith.constant 544 : index
      %swap3A_708 = tpu.vector_load %arg5[%swap3A_706, %swap3A_707] {strides = array<i32>} : memref<32x1000xf32, #tpu.memory_space<vmem>>, vector<16xf32>,
      tpu.vector_store %arg5[%swap3A_706, %swap3A_707], %broadcast_in_dim3A_3 {strides = array<i32>} : memref<32x1000xf32, #tpu.memory_space<vmem>>, vector<16xf32>,
      %swap3A_709 = arith.index_cast %add3A_604 : i32 to index
      %swap3A_710 = arith.constant 560 : index
      %swap3A_711 = tpu.vector_load %arg5[%swap3A_709, %swap3A_710] {strides = array<i32>} : memref<32x1000xf32, #tpu.memory_space<vmem>>, vector<16xf32>,
      tpu.vector_store %arg5[%swap3A_709, %swap3A_710], %broadcast_in_dim3A_3 {strides = array<i32>} : memref<32x1000xf32, #tpu.memory_space<vmem>>, vector<16xf32>,
      %swap3A_712 = arith.index_cast %add3A_604 : i32 to index
      %swap3A_713 = arith.constant 576 : index
      %swap3A_714 = tpu.vector_load %arg5[%swap3A_712, %swap3A_713] {strides = array<i32>} : memref<32x1000xf32, #tpu.memory_space<vmem>>, vector<16xf32>,
      tpu.vector_store %arg5[%swap3A_712, %swap3A_713], %broadcast_in_dim3A_3 {strides = array<i32>} : memref<32x1000xf32, #tpu.memory_space<vmem>>, vector<16xf32>,
      %swap3A_715 = arith.index_cast %add3A_604 : i32 to index
      %swap3A_716 = arith.constant 592 : index
      %swap3A_717 = tpu.vector_load %arg5[%swap3A_715, %swap3A_716] {strides = array<i32>} : memref<32x1000xf32, #tpu.memory_space<vmem>>, vector<16xf32>,
      tpu.vector_store %arg5[%swap3A_715, %swap3A_716], %broadcast_in_dim3A_3 {strides = array<i32>} : memref<32x1000xf32, #tpu.memory_space<vmem>>, vector<16xf32>,
      %swap3A_718 = arith.index_cast %add3A_604 : i32 to index
      %swap3A_719 = arith.constant 608 : index
      %swap3A_720 = tpu.vector_load %arg5[%swap3A_718, %swap3A_719] {strides = array<i32>} : memref<32x1000xf32, #tpu.memory_space<vmem>>, vector<16xf32>,
      tpu.vector_store %arg5[%swap3A_718, %swap3A_719], %broadcast_in_dim3A_3 {strides = array<i32>} : memref<32x1000xf32, #tpu.memory_space<vmem>>, vector<16xf32>,
      %swap3A_721 = arith.index_cast %add3A_604 : i32 to index
      %swap3A_722 = arith.constant 624 : index
      %swap3A_723 = tpu.vector_load %arg5[%swap3A_721, %swap3A_722] {strides = array<i32>} : memref<32x1000xf32, #tpu.memory_space<vmem>>, vector<16xf32>,
      tpu.vector_store %arg5[%swap3A_721, %swap3A_722], %broadcast_in_dim3A_3 {strides = array<i32>} : memref<32x1000xf32, #tpu.memory_space<vmem>>, vector<16xf32>,
      %swap3A_724 = arith.index_cast %add3A_604 : i32 to index
      %swap3A_725 = arith.constant 640 : index
      %swap3A_726 = tpu.vector_load %arg5[%swap3A_724, %swap3A_725] {strides = array<i32>} : memref<32x1000xf32, #tpu.memory_space<vmem>>, vector<16xf32>,
      tpu.vector_store %arg5[%swap3A_724, %swap3A_725], %broadcast_in_dim3A_3 {strides = array<i32>} : memref<32x1000xf32, #tpu.memory_space<vmem>>, vector<16xf32>,
      %swap3A_727 = arith.index_cast %add3A_604 : i32 to index
      %swap3A_728 = arith.constant 656 : index
      %swap3A_729 = tpu.vector_load %arg5[%swap3A_727, %swap3A_728] {strides = array<i32>} : memref<32x1000xf32, #tpu.memory_space<vmem>>, vector<16xf32>,
      tpu.vector_store %arg5[%swap3A_727, %swap3A_728], %broadcast_in_dim3A_3 {strides = array<i32>} : memref<32x1000xf32, #tpu.memory_space<vmem>>, vector<16xf32>,
      %swap3A_730 = arith.index_cast %add3A_604 : i32 to index
      %swap3A_731 = arith.constant 672 : index
      %swap3A_732 = tpu.vector_load %arg5[%swap3A_730, %swap3A_731] {strides = array<i32>} : memref<32x1000xf32, #tpu.memory_space<vmem>>, vector<16xf32>,
      tpu.vector_store %arg5[%swap3A_730, %swap3A_731], %broadcast_in_dim3A_3 {strides = array<i32>} : memref<32x1000xf32, #tpu.memory_space<vmem>>, vector<16xf32>,
      %swap3A_733 = arith.index_cast %add3A_604 : i32 to index
      %swap3A_734 = arith.constant 688 : index
      %swap3A_735 = tpu.vector_load %arg5[%swap3A_733, %swap3A_734] {strides = array<i32>} : memref<32x1000xf32, #tpu.memory_space<vmem>>, vector<16xf32>,
      tpu.vector_store %arg5[%swap3A_733, %swap3A_734], %broadcast_in_dim3A_3 {strides = array<i32>} : memref<32x1000xf32, #tpu.memory_space<vmem>>, vector<16xf32>,
      %swap3A_736 = arith.index_cast %add3A_604 : i32 to index
      %swap3A_737 = arith.constant 704 : index
      %swap3A_738 = tpu.vector_load %arg5[%swap3A_736, %swap3A_737] {strides = array<i32>} : memref<32x1000xf32, #tpu.memory_space<vmem>>, vector<16xf32>,
      tpu.vector_store %arg5[%swap3A_736, %swap3A_737], %broadcast_in_dim3A_3 {strides = array<i32>} : memref<32x1000xf32, #tpu.memory_space<vmem>>, vector<16xf32>,
      %swap3A_739 = arith.index_cast %add3A_604 : i32 to index
      %swap3A_740 = arith.constant 720 : index
      %swap3A_741 = tpu.vector_load %arg5[%swap3A_739, %swap3A_740] {strides = array<i32>} : memref<32x1000xf32, #tpu.memory_space<vmem>>, vector<16xf32>,
      tpu.vector_store %arg5[%swap3A_739, %swap3A_740], %broadcast_in_dim3A_3 {strides = array<i32>} : memref<32x1000xf32, #tpu.memory_space<vmem>>, vector<16xf32>,
      %swap3A_742 = arith.index_cast %add3A_604 : i32 to index
      %swap3A_743 = arith.constant 736 : index
      %swap3A_744 = tpu.vector_load %arg5[%swap3A_742, %swap3A_743] {strides = array<i32>} : memref<32x1000xf32, #tpu.memory_space<vmem>>, vector<16xf32>,
      tpu.vector_store %arg5[%swap3A_742, %swap3A_743], %broadcast_in_dim3A_3 {strides = array<i32>} : memref<32x1000xf32, #tpu.memory_space<vmem>>, vector<16xf32>,
      %swap3A_745 = arith.index_cast %add3A_604 : i32 to index
      %swap3A_746 = arith.constant 752 : index
      %swap3A_747 = tpu.vector_load %arg5[%swap3A_745, %swap3A_746] {strides = array<i32>} : memref<32x1000xf32, #tpu.memory_space<vmem>>, vector<16xf32>,
      tpu.vector_store %arg5[%swap3A_745, %swap3A_746], %broadcast_in_dim3A_3 {strides = array<i32>} : memref<32x1000xf32, #tpu.memory_space<vmem>>, vector<16xf32>,
      %swap3A_748 = arith.index_cast %add3A_604 : i32 to index
      %swap3A_749 = arith.constant 768 : index
      %swap3A_750 = tpu.vector_load %arg5[%swap3A_748, %swap3A_749] {strides = array<i32>} : memref<32x1000xf32, #tpu.memory_space<vmem>>, vector<16xf32>,
      tpu.vector_store %arg5[%swap3A_748, %swap3A_749], %broadcast_in_dim3A_3 {strides = array<i32>} : memref<32x1000xf32, #tpu.memory_space<vmem>>, vector<16xf32>,
      %swap3A_751 = arith.index_cast %add3A_604 : i32 to index
      %swap3A_752 = arith.constant 784 : index
      %swap3A_753 = tpu.vector_load %arg5[%swap3A_751, %swap3A_752] {strides = array<i32>} : memref<32x1000xf32, #tpu.memory_space<vmem>>, vector<16xf32>,
      tpu.vector_store %arg5[%swap3A_751, %swap3A_752], %broadcast_in_dim3A_3 {strides = array<i32>} : memref<32x1000xf32, #tpu.memory_space<vmem>>, vector<16xf32>,
      %swap3A_754 = arith.index_cast %add3A_604 : i32 to index
      %swap3A_755 = arith.constant 800 : index
      %swap3A_756 = tpu.vector_load %arg5[%swap3A_754, %swap3A_755] {strides = array<i32>} : memref<32x1000xf32, #tpu.memory_space<vmem>>, vector<16xf32>,
      tpu.vector_store %arg5[%swap3A_754, %swap3A_755], %broadcast_in_dim3A_3 {strides = array<i32>} : memref<32x1000xf32, #tpu.memory_space<vmem>>, vector<16xf32>,
      %swap3A_757 = arith.index_cast %add3A_604 : i32 to index
      %swap3A_758 = arith.constant 816 : index
      %swap3A_759 = tpu.vector_load %arg5[%swap3A_757, %swap3A_758] {strides = array<i32>} : memref<32x1000xf32, #tpu.memory_space<vmem>>, vector<16xf32>,
      tpu.vector_store %arg5[%swap3A_757, %swap3A_758], %broadcast_in_dim3A_3 {strides = array<i32>} : memref<32x1000xf32, #tpu.memory_space<vmem>>, vector<16xf32>,
      %swap3A_760 = arith.index_cast %add3A_604 : i32 to index
      %swap3A_761 = arith.constant 832 : index
      %swap3A_762 = tpu.vector_load %arg5[%swap3A_760, %swap3A_761] {strides = array<i32>} : memref<32x1000xf32, #tpu.memory_space<vmem>>, vector<16xf32>,
      tpu.vector_store %arg5[%swap3A_760, %swap3A_761], %broadcast_in_dim3A_3 {strides = array<i32>} : memref<32x1000xf32, #tpu.memory_space<vmem>>, vector<16xf32>,
      %swap3A_763 = arith.index_cast %add3A_604 : i32 to index
      %swap3A_764 = arith.constant 848 : index
      %swap3A_765 = tpu.vector_load %arg5[%swap3A_763, %swap3A_764] {strides = array<i32>} : memref<32x1000xf32, #tpu.memory_space<vmem>>, vector<16xf32>,
      tpu.vector_store %arg5[%swap3A_763, %swap3A_764], %broadcast_in_dim3A_3 {strides = array<i32>} : memref<32x1000xf32, #tpu.memory_space<vmem>>, vector<16xf32>,
      %swap3A_766 = arith.index_cast %add3A_604 : i32 to index
      %swap3A_767 = arith.constant 864 : index
      %swap3A_768 = tpu.vector_load %arg5[%swap3A_766, %swap3A_767] {strides = array<i32>} : memref<32x1000xf32, #tpu.memory_space<vmem>>, vector<16xf32>,
      tpu.vector_store %arg5[%swap3A_766, %swap3A_767], %broadcast_in_dim3A_3 {strides = array<i32>} : memref<32x1000xf32, #tpu.memory_space<vmem>>, vector<16xf32>,
      %swap3A_769 = arith.index_cast %add3A_604 : i32 to index
      %swap3A_770 = arith.constant 880 : index
      %swap3A_771 = tpu.vector_load %arg5[%swap3A_769, %swap3A_770] {strides = array<i32>} : memref<32x1000xf32, #tpu.memory_space<vmem>>, vector<16xf32>,
      tpu.vector_store %arg5[%swap3A_769, %swap3A_770], %broadcast_in_dim3A_3 {strides = array<i32>} : memref<32x1000xf32, #tpu.memory_space<vmem>>, vector<16xf32>,
      %swap3A_772 = arith.index_cast %add3A_604 : i32 to index
      %swap3A_773 = arith.constant 896 : index
      %swap3A_774 = tpu.vector_load %arg5[%swap3A_772, %swap3A_773] {strides = array<i32>} : memref<32x1000xf32, #tpu.memory_space<vmem>>, vector<16xf32>,
      tpu.vector_store %arg5[%swap3A_772, %swap3A_773], %broadcast_in_dim3A_3 {strides = array<i32>} : memref<32x1000xf32, #tpu.memory_space<vmem>>, vector<16xf32>,
      %swap3A_775 = arith.index_cast %add3A_604 : i32 to index
      %swap3A_776 = arith.constant 912 : index
      %swap3A_777 = tpu.vector_load %arg5[%swap3A_775, %swap3A_776] {strides = array<i32>} : memref<32x1000xf32, #tpu.memory_space<vmem>>, vector<16xf32>,
      tpu.vector_store %arg5[%swap3A_775, %swap3A_776], %broadcast_in_dim3A_3 {strides = array<i32>} : memref<32x1000xf32, #tpu.memory_space<vmem>>, vector<16xf32>,
      %swap3A_778 = arith.index_cast %add3A_604 : i32 to index
      %swap3A_779 = arith.constant 928 : index
      %swap3A_780 = tpu.vector_load %arg5[%swap3A_778, %swap3A_779] {strides = array<i32>} : memref<32x1000xf32, #tpu.memory_space<vmem>>, vector<16xf32>,
      tpu.vector_store %arg5[%swap3A_778, %swap3A_779], %broadcast_in_dim3A_3 {strides = array<i32>} : memref<32x1000xf32, #tpu.memory_space<vmem>>, vector<16xf32>,
      %swap3A_781 = arith.index_cast %add3A_604 : i32 to index
      %swap3A_782 = arith.constant 944 : index
      %swap3A_783 = tpu.vector_load %arg5[%swap3A_781, %swap3A_782] {strides = array<i32>} : memref<32x1000xf32, #tpu.memory_space<vmem>>, vector<16xf32>,
      tpu.vector_store %arg5[%swap3A_781, %swap3A_782], %broadcast_in_dim3A_3 {strides = array<i32>} : memref<32x1000xf32, #tpu.memory_space<vmem>>, vector<16xf32>,
      %swap3A_784 = arith.index_cast %add3A_604 : i32 to index
      %swap3A_785 = arith.constant 960 : index
      %swap3A_786 = tpu.vector_load %arg5[%swap3A_784, %swap3A_785] {strides = array<i32>} : memref<32x1000xf32, #tpu.memory_space<vmem>>, vector<16xf32>,
      tpu.vector_store %arg5[%swap3A_784, %swap3A_785], %broadcast_in_dim3A_3 {strides = array<i32>} : memref<32x1000xf32, #tpu.memory_space<vmem>>, vector<16xf32>,
      %swap3A_787 = arith.index_cast %add3A_604 : i32 to index
      %swap3A_788 = arith.constant 976 : index
      %swap3A_789 = tpu.vector_load %arg5[%swap3A_787, %swap3A_788] {strides = array<i32>} : memref<32x1000xf32, #tpu.memory_space<vmem>>, vector<16xf32>,
      tpu.vector_store %arg5[%swap3A_787, %swap3A_788], %broadcast_in_dim3A_3 {strides = array<i32>} : memref<32x1000xf32, #tpu.memory_space<vmem>>, vector<16xf32>,
      %swap3A_790 = arith.index_cast %add3A_604 : i32 to index
      %swap3A_791 = arith.constant 984 : index
      %swap3A_792 = tpu.vector_load %arg5[%swap3A_790, %swap3A_791] {strides = array<i32>} : memref<32x1000xf32, #tpu.memory_space<vmem>>, vector<16xf32>,
      tpu.vector_store %arg5[%swap3A_790, %swap3A_791], %broadcast_in_dim3A_3 {strides = array<i32>} : memref<32x1000xf32, #tpu.memory_space<vmem>>, vector<16xf32>,
    }
    %scan3A_9 = arith.constant 32 : i32
    %scan3A_10 = arith.constant 0 : i32
    %scan3A_11 = arith.constant 32 : i32
    %scan3A_12 = arith.addi %scan3A_10, %scan3A_11 : i32
    %scan3A_13 = arith.constant 1 : i32
    scf.for %scan3A_600 = %scan3A_10 to %scan3A_12 step %scan3A_13  : i32 {
      %mul3A_601 = arith.constant 1 : i32
      %mul3A_602 = arith.muli %scan3A_600, %mul3A_601 : i32
      %add3A_603 = arith.constant 0 : i32
      %add3A_604 = arith.addi %add3A_603, %mul3A_602 : i32
      %swap3A = arith.index_cast %add3A_604 : i32 to index
      %swap3A_605 = arith.constant 0 : index
      %swap3A_606 = tpu.vector_load %arg6[%swap3A, %swap3A_605] {strides = array<i32>} : memref<32x1000xf32, #tpu.memory_space<vmem>>, vector<16xf32>,
      tpu.vector_store %arg6[%swap3A, %swap3A_605], %broadcast_in_dim3A_3 {strides = array<i32>} : memref<32x1000xf32, #tpu.memory_space<vmem>>, vector<16xf32>,
      %swap3A_607 = arith.index_cast %add3A_604 : i32 to index
      %swap3A_608 = arith.constant 16 : index
      %swap3A_609 = tpu.vector_load %arg6[%swap3A_607, %swap3A_608] {strides = array<i32>} : memref<32x1000xf32, #tpu.memory_space<vmem>>, vector<16xf32>,
      tpu.vector_store %arg6[%swap3A_607, %swap3A_608], %broadcast_in_dim3A_3 {strides = array<i32>} : memref<32x1000xf32, #tpu.memory_space<vmem>>, vector<16xf32>,
      %swap3A_610 = arith.index_cast %add3A_604 : i32 to index
      %swap3A_611 = arith.constant 32 : index
      %swap3A_612 = tpu.vector_load %arg6[%swap3A_610, %swap3A_611] {strides = array<i32>} : memref<32x1000xf32, #tpu.memory_space<vmem>>, vector<16xf32>,
      tpu.vector_store %arg6[%swap3A_610, %swap3A_611], %broadcast_in_dim3A_3 {strides = array<i32>} : memref<32x1000xf32, #tpu.memory_space<vmem>>, vector<16xf32>,
      %swap3A_613 = arith.index_cast %add3A_604 : i32 to index
      %swap3A_614 = arith.constant 48 : index
      %swap3A_615 = tpu.vector_load %arg6[%swap3A_613, %swap3A_614] {strides = array<i32>} : memref<32x1000xf32, #tpu.memory_space<vmem>>, vector<16xf32>,
      tpu.vector_store %arg6[%swap3A_613, %swap3A_614], %broadcast_in_dim3A_3 {strides = array<i32>} : memref<32x1000xf32, #tpu.memory_space<vmem>>, vector<16xf32>,
      %swap3A_616 = arith.index_cast %add3A_604 : i32 to index
      %swap3A_617 = arith.constant 64 : index
      %swap3A_618 = tpu.vector_load %arg6[%swap3A_616, %swap3A_617] {strides = array<i32>} : memref<32x1000xf32, #tpu.memory_space<vmem>>, vector<16xf32>,
      tpu.vector_store %arg6[%swap3A_616, %swap3A_617], %broadcast_in_dim3A_3 {strides = array<i32>} : memref<32x1000xf32, #tpu.memory_space<vmem>>, vector<16xf32>,
      %swap3A_619 = arith.index_cast %add3A_604 : i32 to index
      %swap3A_620 = arith.constant 80 : index
      %swap3A_621 = tpu.vector_load %arg6[%swap3A_619, %swap3A_620] {strides = array<i32>} : memref<32x1000xf32, #tpu.memory_space<vmem>>, vector<16xf32>,
      tpu.vector_store %arg6[%swap3A_619, %swap3A_620], %broadcast_in_dim3A_3 {strides = array<i32>} : memref<32x1000xf32, #tpu.memory_space<vmem>>, vector<16xf32>,
      %swap3A_622 = arith.index_cast %add3A_604 : i32 to index
      %swap3A_623 = arith.constant 96 : index
      %swap3A_624 = tpu.vector_load %arg6[%swap3A_622, %swap3A_623] {strides = array<i32>} : memref<32x1000xf32, #tpu.memory_space<vmem>>, vector<16xf32>,
      tpu.vector_store %arg6[%swap3A_622, %swap3A_623], %broadcast_in_dim3A_3 {strides = array<i32>} : memref<32x1000xf32, #tpu.memory_space<vmem>>, vector<16xf32>,
      %swap3A_625 = arith.index_cast %add3A_604 : i32 to index
      %swap3A_626 = arith.constant 112 : index
      %swap3A_627 = tpu.vector_load %arg6[%swap3A_625, %swap3A_626] {strides = array<i32>} : memref<32x1000xf32, #tpu.memory_space<vmem>>, vector<16xf32>,
      tpu.vector_store %arg6[%swap3A_625, %swap3A_626], %broadcast_in_dim3A_3 {strides = array<i32>} : memref<32x1000xf32, #tpu.memory_space<vmem>>, vector<16xf32>,
      %swap3A_628 = arith.index_cast %add3A_604 : i32 to index
      %swap3A_629 = arith.constant 128 : index
      %swap3A_630 = tpu.vector_load %arg6[%swap3A_628, %swap3A_629] {strides = array<i32>} : memref<32x1000xf32, #tpu.memory_space<vmem>>, vector<16xf32>,
      tpu.vector_store %arg6[%swap3A_628, %swap3A_629], %broadcast_in_dim3A_3 {strides = array<i32>} : memref<32x1000xf32, #tpu.memory_space<vmem>>, vector<16xf32>,
      %swap3A_631 = arith.index_cast %add3A_604 : i32 to index
      %swap3A_632 = arith.constant 144 : index
      %swap3A_633 = tpu.vector_load %arg6[%swap3A_631, %swap3A_632] {strides = array<i32>} : memref<32x1000xf32, #tpu.memory_space<vmem>>, vector<16xf32>,
      tpu.vector_store %arg6[%swap3A_631, %swap3A_632], %broadcast_in_dim3A_3 {strides = array<i32>} : memref<32x1000xf32, #tpu.memory_space<vmem>>, vector<16xf32>,
      %swap3A_634 = arith.index_cast %add3A_604 : i32 to index
      %swap3A_635 = arith.constant 160 : index
      %swap3A_636 = tpu.vector_load %arg6[%swap3A_634, %swap3A_635] {strides = array<i32>} : memref<32x1000xf32, #tpu.memory_space<vmem>>, vector<16xf32>,
      tpu.vector_store %arg6[%swap3A_634, %swap3A_635], %broadcast_in_dim3A_3 {strides = array<i32>} : memref<32x1000xf32, #tpu.memory_space<vmem>>, vector<16xf32>,
      %swap3A_637 = arith.index_cast %add3A_604 : i32 to index
      %swap3A_638 = arith.constant 176 : index
      %swap3A_639 = tpu.vector_load %arg6[%swap3A_637, %swap3A_638] {strides = array<i32>} : memref<32x1000xf32, #tpu.memory_space<vmem>>, vector<16xf32>,
      tpu.vector_store %arg6[%swap3A_637, %swap3A_638], %broadcast_in_dim3A_3 {strides = array<i32>} : memref<32x1000xf32, #tpu.memory_space<vmem>>, vector<16xf32>,
      %swap3A_640 = arith.index_cast %add3A_604 : i32 to index
      %swap3A_641 = arith.constant 192 : index
      %swap3A_642 = tpu.vector_load %arg6[%swap3A_640, %swap3A_641] {strides = array<i32>} : memref<32x1000xf32, #tpu.memory_space<vmem>>, vector<16xf32>,
      tpu.vector_store %arg6[%swap3A_640, %swap3A_641], %broadcast_in_dim3A_3 {strides = array<i32>} : memref<32x1000xf32, #tpu.memory_space<vmem>>, vector<16xf32>,
      %swap3A_643 = arith.index_cast %add3A_604 : i32 to index
      %swap3A_644 = arith.constant 208 : index
      %swap3A_645 = tpu.vector_load %arg6[%swap3A_643, %swap3A_644] {strides = array<i32>} : memref<32x1000xf32, #tpu.memory_space<vmem>>, vector<16xf32>,
      tpu.vector_store %arg6[%swap3A_643, %swap3A_644], %broadcast_in_dim3A_3 {strides = array<i32>} : memref<32x1000xf32, #tpu.memory_space<vmem>>, vector<16xf32>,
      %swap3A_646 = arith.index_cast %add3A_604 : i32 to index
      %swap3A_647 = arith.constant 224 : index
      %swap3A_648 = tpu.vector_load %arg6[%swap3A_646, %swap3A_647] {strides = array<i32>} : memref<32x1000xf32, #tpu.memory_space<vmem>>, vector<16xf32>,
      tpu.vector_store %arg6[%swap3A_646, %swap3A_647], %broadcast_in_dim3A_3 {strides = array<i32>} : memref<32x1000xf32, #tpu.memory_space<vmem>>, vector<16xf32>,
      %swap3A_649 = arith.index_cast %add3A_604 : i32 to index
      %swap3A_650 = arith.constant 240 : index
      %swap3A_651 = tpu.vector_load %arg6[%swap3A_649, %swap3A_650] {strides = array<i32>} : memref<32x1000xf32, #tpu.memory_space<vmem>>, vector<16xf32>,
      tpu.vector_store %arg6[%swap3A_649, %swap3A_650], %broadcast_in_dim3A_3 {strides = array<i32>} : memref<32x1000xf32, #tpu.memory_space<vmem>>, vector<16xf32>,
      %swap3A_652 = arith.index_cast %add3A_604 : i32 to index
      %swap3A_653 = arith.constant 256 : index
      %swap3A_654 = tpu.vector_load %arg6[%swap3A_652, %swap3A_653] {strides = array<i32>} : memref<32x1000xf32, #tpu.memory_space<vmem>>, vector<16xf32>,
      tpu.vector_store %arg6[%swap3A_652, %swap3A_653], %broadcast_in_dim3A_3 {strides = array<i32>} : memref<32x1000xf32, #tpu.memory_space<vmem>>, vector<16xf32>,
      %swap3A_655 = arith.index_cast %add3A_604 : i32 to index
      %swap3A_656 = arith.constant 272 : index
      %swap3A_657 = tpu.vector_load %arg6[%swap3A_655, %swap3A_656] {strides = array<i32>} : memref<32x1000xf32, #tpu.memory_space<vmem>>, vector<16xf32>,
      tpu.vector_store %arg6[%swap3A_655, %swap3A_656], %broadcast_in_dim3A_3 {strides = array<i32>} : memref<32x1000xf32, #tpu.memory_space<vmem>>, vector<16xf32>,
      %swap3A_658 = arith.index_cast %add3A_604 : i32 to index
      %swap3A_659 = arith.constant 288 : index
      %swap3A_660 = tpu.vector_load %arg6[%swap3A_658, %swap3A_659] {strides = array<i32>} : memref<32x1000xf32, #tpu.memory_space<vmem>>, vector<16xf32>,
      tpu.vector_store %arg6[%swap3A_658, %swap3A_659], %broadcast_in_dim3A_3 {strides = array<i32>} : memref<32x1000xf32, #tpu.memory_space<vmem>>, vector<16xf32>,
      %swap3A_661 = arith.index_cast %add3A_604 : i32 to index
      %swap3A_662 = arith.constant 304 : index
      %swap3A_663 = tpu.vector_load %arg6[%swap3A_661, %swap3A_662] {strides = array<i32>} : memref<32x1000xf32, #tpu.memory_space<vmem>>, vector<16xf32>,
      tpu.vector_store %arg6[%swap3A_661, %swap3A_662], %broadcast_in_dim3A_3 {strides = array<i32>} : memref<32x1000xf32, #tpu.memory_space<vmem>>, vector<16xf32>,
      %swap3A_664 = arith.index_cast %add3A_604 : i32 to index
      %swap3A_665 = arith.constant 320 : index
      %swap3A_666 = tpu.vector_load %arg6[%swap3A_664, %swap3A_665] {strides = array<i32>} : memref<32x1000xf32, #tpu.memory_space<vmem>>, vector<16xf32>,
      tpu.vector_store %arg6[%swap3A_664, %swap3A_665], %broadcast_in_dim3A_3 {strides = array<i32>} : memref<32x1000xf32, #tpu.memory_space<vmem>>, vector<16xf32>,
      %swap3A_667 = arith.index_cast %add3A_604 : i32 to index
      %swap3A_668 = arith.constant 336 : index
      %swap3A_669 = tpu.vector_load %arg6[%swap3A_667, %swap3A_668] {strides = array<i32>} : memref<32x1000xf32, #tpu.memory_space<vmem>>, vector<16xf32>,
      tpu.vector_store %arg6[%swap3A_667, %swap3A_668], %broadcast_in_dim3A_3 {strides = array<i32>} : memref<32x1000xf32, #tpu.memory_space<vmem>>, vector<16xf32>,
      %swap3A_670 = arith.index_cast %add3A_604 : i32 to index
      %swap3A_671 = arith.constant 352 : index
      %swap3A_672 = tpu.vector_load %arg6[%swap3A_670, %swap3A_671] {strides = array<i32>} : memref<32x1000xf32, #tpu.memory_space<vmem>>, vector<16xf32>,
      tpu.vector_store %arg6[%swap3A_670, %swap3A_671], %broadcast_in_dim3A_3 {strides = array<i32>} : memref<32x1000xf32, #tpu.memory_space<vmem>>, vector<16xf32>,
      %swap3A_673 = arith.index_cast %add3A_604 : i32 to index
      %swap3A_674 = arith.constant 368 : index
      %swap3A_675 = tpu.vector_load %arg6[%swap3A_673, %swap3A_674] {strides = array<i32>} : memref<32x1000xf32, #tpu.memory_space<vmem>>, vector<16xf32>,
      tpu.vector_store %arg6[%swap3A_673, %swap3A_674], %broadcast_in_dim3A_3 {strides = array<i32>} : memref<32x1000xf32, #tpu.memory_space<vmem>>, vector<16xf32>,
      %swap3A_676 = arith.index_cast %add3A_604 : i32 to index
      %swap3A_677 = arith.constant 384 : index
      %swap3A_678 = tpu.vector_load %arg6[%swap3A_676, %swap3A_677] {strides = array<i32>} : memref<32x1000xf32, #tpu.memory_space<vmem>>, vector<16xf32>,
      tpu.vector_store %arg6[%swap3A_676, %swap3A_677], %broadcast_in_dim3A_3 {strides = array<i32>} : memref<32x1000xf32, #tpu.memory_space<vmem>>, vector<16xf32>,
      %swap3A_679 = arith.index_cast %add3A_604 : i32 to index
      %swap3A_680 = arith.constant 400 : index
      %swap3A_681 = tpu.vector_load %arg6[%swap3A_679, %swap3A_680] {strides = array<i32>} : memref<32x1000xf32, #tpu.memory_space<vmem>>, vector<16xf32>,
      tpu.vector_store %arg6[%swap3A_679, %swap3A_680], %broadcast_in_dim3A_3 {strides = array<i32>} : memref<32x1000xf32, #tpu.memory_space<vmem>>, vector<16xf32>,
      %swap3A_682 = arith.index_cast %add3A_604 : i32 to index
      %swap3A_683 = arith.constant 416 : index
      %swap3A_684 = tpu.vector_load %arg6[%swap3A_682, %swap3A_683] {strides = array<i32>} : memref<32x1000xf32, #tpu.memory_space<vmem>>, vector<16xf32>,
      tpu.vector_store %arg6[%swap3A_682, %swap3A_683], %broadcast_in_dim3A_3 {strides = array<i32>} : memref<32x1000xf32, #tpu.memory_space<vmem>>, vector<16xf32>,
      %swap3A_685 = arith.index_cast %add3A_604 : i32 to index
      %swap3A_686 = arith.constant 432 : index
      %swap3A_687 = tpu.vector_load %arg6[%swap3A_685, %swap3A_686] {strides = array<i32>} : memref<32x1000xf32, #tpu.memory_space<vmem>>, vector<16xf32>,
      tpu.vector_store %arg6[%swap3A_685, %swap3A_686], %broadcast_in_dim3A_3 {strides = array<i32>} : memref<32x1000xf32, #tpu.memory_space<vmem>>, vector<16xf32>,
      %swap3A_688 = arith.index_cast %add3A_604 : i32 to index
      %swap3A_689 = arith.constant 448 : index
      %swap3A_690 = tpu.vector_load %arg6[%swap3A_688, %swap3A_689] {strides = array<i32>} : memref<32x1000xf32, #tpu.memory_space<vmem>>, vector<16xf32>,
      tpu.vector_store %arg6[%swap3A_688, %swap3A_689], %broadcast_in_dim3A_3 {strides = array<i32>} : memref<32x1000xf32, #tpu.memory_space<vmem>>, vector<16xf32>,
      %swap3A_691 = arith.index_cast %add3A_604 : i32 to index
      %swap3A_692 = arith.constant 464 : index
      %swap3A_693 = tpu.vector_load %arg6[%swap3A_691, %swap3A_692] {strides = array<i32>} : memref<32x1000xf32, #tpu.memory_space<vmem>>, vector<16xf32>,
      tpu.vector_store %arg6[%swap3A_691, %swap3A_692], %broadcast_in_dim3A_3 {strides = array<i32>} : memref<32x1000xf32, #tpu.memory_space<vmem>>, vector<16xf32>,
      %swap3A_694 = arith.index_cast %add3A_604 : i32 to index
      %swap3A_695 = arith.constant 480 : index
      %swap3A_696 = tpu.vector_load %arg6[%swap3A_694, %swap3A_695] {strides = array<i32>} : memref<32x1000xf32, #tpu.memory_space<vmem>>, vector<16xf32>,
      tpu.vector_store %arg6[%swap3A_694, %swap3A_695], %broadcast_in_dim3A_3 {strides = array<i32>} : memref<32x1000xf32, #tpu.memory_space<vmem>>, vector<16xf32>,
      %swap3A_697 = arith.index_cast %add3A_604 : i32 to index
      %swap3A_698 = arith.constant 496 : index
      %swap3A_699 = tpu.vector_load %arg6[%swap3A_697, %swap3A_698] {strides = array<i32>} : memref<32x1000xf32, #tpu.memory_space<vmem>>, vector<16xf32>,
      tpu.vector_store %arg6[%swap3A_697, %swap3A_698], %broadcast_in_dim3A_3 {strides = array<i32>} : memref<32x1000xf32, #tpu.memory_space<vmem>>, vector<16xf32>,
      %swap3A_700 = arith.index_cast %add3A_604 : i32 to index
      %swap3A_701 = arith.constant 512 : index
      %swap3A_702 = tpu.vector_load %arg6[%swap3A_700, %swap3A_701] {strides = array<i32>} : memref<32x1000xf32, #tpu.memory_space<vmem>>, vector<16xf32>,
      tpu.vector_store %arg6[%swap3A_700, %swap3A_701], %broadcast_in_dim3A_3 {strides = array<i32>} : memref<32x1000xf32, #tpu.memory_space<vmem>>, vector<16xf32>,
      %swap3A_703 = arith.index_cast %add3A_604 : i32 to index
      %swap3A_704 = arith.constant 528 : index
      %swap3A_705 = tpu.vector_load %arg6[%swap3A_703, %swap3A_704] {strides = array<i32>} : memref<32x1000xf32, #tpu.memory_space<vmem>>, vector<16xf32>,
      tpu.vector_store %arg6[%swap3A_703, %swap3A_704], %broadcast_in_dim3A_3 {strides = array<i32>} : memref<32x1000xf32, #tpu.memory_space<vmem>>, vector<16xf32>,
      %swap3A_706 = arith.index_cast %add3A_604 : i32 to index
      %swap3A_707 = arith.constant 544 : index
      %swap3A_708 = tpu.vector_load %arg6[%swap3A_706, %swap3A_707] {strides = array<i32>} : memref<32x1000xf32, #tpu.memory_space<vmem>>, vector<16xf32>,
      tpu.vector_store %arg6[%swap3A_706, %swap3A_707], %broadcast_in_dim3A_3 {strides = array<i32>} : memref<32x1000xf32, #tpu.memory_space<vmem>>, vector<16xf32>,
      %swap3A_709 = arith.index_cast %add3A_604 : i32 to index
      %swap3A_710 = arith.constant 560 : index
      %swap3A_711 = tpu.vector_load %arg6[%swap3A_709, %swap3A_710] {strides = array<i32>} : memref<32x1000xf32, #tpu.memory_space<vmem>>, vector<16xf32>,
      tpu.vector_store %arg6[%swap3A_709, %swap3A_710], %broadcast_in_dim3A_3 {strides = array<i32>} : memref<32x1000xf32, #tpu.memory_space<vmem>>, vector<16xf32>,
      %swap3A_712 = arith.index_cast %add3A_604 : i32 to index
      %swap3A_713 = arith.constant 576 : index
      %swap3A_714 = tpu.vector_load %arg6[%swap3A_712, %swap3A_713] {strides = array<i32>} : memref<32x1000xf32, #tpu.memory_space<vmem>>, vector<16xf32>,
      tpu.vector_store %arg6[%swap3A_712, %swap3A_713], %broadcast_in_dim3A_3 {strides = array<i32>} : memref<32x1000xf32, #tpu.memory_space<vmem>>, vector<16xf32>,
      %swap3A_715 = arith.index_cast %add3A_604 : i32 to index
      %swap3A_716 = arith.constant 592 : index
      %swap3A_717 = tpu.vector_load %arg6[%swap3A_715, %swap3A_716] {strides = array<i32>} : memref<32x1000xf32, #tpu.memory_space<vmem>>, vector<16xf32>,
      tpu.vector_store %arg6[%swap3A_715, %swap3A_716], %broadcast_in_dim3A_3 {strides = array<i32>} : memref<32x1000xf32, #tpu.memory_space<vmem>>, vector<16xf32>,
      %swap3A_718 = arith.index_cast %add3A_604 : i32 to index
      %swap3A_719 = arith.constant 608 : index
      %swap3A_720 = tpu.vector_load %arg6[%swap3A_718, %swap3A_719] {strides = array<i32>} : memref<32x1000xf32, #tpu.memory_space<vmem>>, vector<16xf32>,
      tpu.vector_store %arg6[%swap3A_718, %swap3A_719], %broadcast_in_dim3A_3 {strides = array<i32>} : memref<32x1000xf32, #tpu.memory_space<vmem>>, vector<16xf32>,
      %swap3A_721 = arith.index_cast %add3A_604 : i32 to index
      %swap3A_722 = arith.constant 624 : index
      %swap3A_723 = tpu.vector_load %arg6[%swap3A_721, %swap3A_722] {strides = array<i32>} : memref<32x1000xf32, #tpu.memory_space<vmem>>, vector<16xf32>,
      tpu.vector_store %arg6[%swap3A_721, %swap3A_722], %broadcast_in_dim3A_3 {strides = array<i32>} : memref<32x1000xf32, #tpu.memory_space<vmem>>, vector<16xf32>,
      %swap3A_724 = arith.index_cast %add3A_604 : i32 to index
      %swap3A_725 = arith.constant 640 : index
      %swap3A_726 = tpu.vector_load %arg6[%swap3A_724, %swap3A_725] {strides = array<i32>} : memref<32x1000xf32, #tpu.memory_space<vmem>>, vector<16xf32>,
      tpu.vector_store %arg6[%swap3A_724, %swap3A_725], %broadcast_in_dim3A_3 {strides = array<i32>} : memref<32x1000xf32, #tpu.memory_space<vmem>>, vector<16xf32>,
      %swap3A_727 = arith.index_cast %add3A_604 : i32 to index
      %swap3A_728 = arith.constant 656 : index
      %swap3A_729 = tpu.vector_load %arg6[%swap3A_727, %swap3A_728] {strides = array<i32>} : memref<32x1000xf32, #tpu.memory_space<vmem>>, vector<16xf32>,
      tpu.vector_store %arg6[%swap3A_727, %swap3A_728], %broadcast_in_dim3A_3 {strides = array<i32>} : memref<32x1000xf32, #tpu.memory_space<vmem>>, vector<16xf32>,
      %swap3A_730 = arith.index_cast %add3A_604 : i32 to index
      %swap3A_731 = arith.constant 672 : index
      %swap3A_732 = tpu.vector_load %arg6[%swap3A_730, %swap3A_731] {strides = array<i32>} : memref<32x1000xf32, #tpu.memory_space<vmem>>, vector<16xf32>,
      tpu.vector_store %arg6[%swap3A_730, %swap3A_731], %broadcast_in_dim3A_3 {strides = array<i32>} : memref<32x1000xf32, #tpu.memory_space<vmem>>, vector<16xf32>,
      %swap3A_733 = arith.index_cast %add3A_604 : i32 to index
      %swap3A_734 = arith.constant 688 : index
      %swap3A_735 = tpu.vector_load %arg6[%swap3A_733, %swap3A_734] {strides = array<i32>} : memref<32x1000xf32, #tpu.memory_space<vmem>>, vector<16xf32>,
      tpu.vector_store %arg6[%swap3A_733, %swap3A_734], %broadcast_in_dim3A_3 {strides = array<i32>} : memref<32x1000xf32, #tpu.memory_space<vmem>>, vector<16xf32>,
      %swap3A_736 = arith.index_cast %add3A_604 : i32 to index
      %swap3A_737 = arith.constant 704 : index
      %swap3A_738 = tpu.vector_load %arg6[%swap3A_736, %swap3A_737] {strides = array<i32>} : memref<32x1000xf32, #tpu.memory_space<vmem>>, vector<16xf32>,
      tpu.vector_store %arg6[%swap3A_736, %swap3A_737], %broadcast_in_dim3A_3 {strides = array<i32>} : memref<32x1000xf32, #tpu.memory_space<vmem>>, vector<16xf32>,
      %swap3A_739 = arith.index_cast %add3A_604 : i32 to index
      %swap3A_740 = arith.constant 720 : index
      %swap3A_741 = tpu.vector_load %arg6[%swap3A_739, %swap3A_740] {strides = array<i32>} : memref<32x1000xf32, #tpu.memory_space<vmem>>, vector<16xf32>,
      tpu.vector_store %arg6[%swap3A_739, %swap3A_740], %broadcast_in_dim3A_3 {strides = array<i32>} : memref<32x1000xf32, #tpu.memory_space<vmem>>, vector<16xf32>,
      %swap3A_742 = arith.index_cast %add3A_604 : i32 to index
      %swap3A_743 = arith.constant 736 : index
      %swap3A_744 = tpu.vector_load %arg6[%swap3A_742, %swap3A_743] {strides = array<i32>} : memref<32x1000xf32, #tpu.memory_space<vmem>>, vector<16xf32>,
      tpu.vector_store %arg6[%swap3A_742, %swap3A_743], %broadcast_in_dim3A_3 {strides = array<i32>} : memref<32x1000xf32, #tpu.memory_space<vmem>>, vector<16xf32>,
      %swap3A_745 = arith.index_cast %add3A_604 : i32 to index
      %swap3A_746 = arith.constant 752 : index
      %swap3A_747 = tpu.vector_load %arg6[%swap3A_745, %swap3A_746] {strides = array<i32>} : memref<32x1000xf32, #tpu.memory_space<vmem>>, vector<16xf32>,
      tpu.vector_store %arg6[%swap3A_745, %swap3A_746], %broadcast_in_dim3A_3 {strides = array<i32>} : memref<32x1000xf32, #tpu.memory_space<vmem>>, vector<16xf32>,
      %swap3A_748 = arith.index_cast %add3A_604 : i32 to index
      %swap3A_749 = arith.constant 768 : index
      %swap3A_750 = tpu.vector_load %arg6[%swap3A_748, %swap3A_749] {strides = array<i32>} : memref<32x1000xf32, #tpu.memory_space<vmem>>, vector<16xf32>,
      tpu.vector_store %arg6[%swap3A_748, %swap3A_749], %broadcast_in_dim3A_3 {strides = array<i32>} : memref<32x1000xf32, #tpu.memory_space<vmem>>, vector<16xf32>,
      %swap3A_751 = arith.index_cast %add3A_604 : i32 to index
      %swap3A_752 = arith.constant 784 : index
      %swap3A_753 = tpu.vector_load %arg6[%swap3A_751, %swap3A_752] {strides = array<i32>} : memref<32x1000xf32, #tpu.memory_space<vmem>>, vector<16xf32>,
      tpu.vector_store %arg6[%swap3A_751, %swap3A_752], %broadcast_in_dim3A_3 {strides = array<i32>} : memref<32x1000xf32, #tpu.memory_space<vmem>>, vector<16xf32>,
      %swap3A_754 = arith.index_cast %add3A_604 : i32 to index
      %swap3A_755 = arith.constant 800 : index
      %swap3A_756 = tpu.vector_load %arg6[%swap3A_754, %swap3A_755] {strides = array<i32>} : memref<32x1000xf32, #tpu.memory_space<vmem>>, vector<16xf32>,
      tpu.vector_store %arg6[%swap3A_754, %swap3A_755], %broadcast_in_dim3A_3 {strides = array<i32>} : memref<32x1000xf32, #tpu.memory_space<vmem>>, vector<16xf32>,
      %swap3A_757 = arith.index_cast %add3A_604 : i32 to index
      %swap3A_758 = arith.constant 816 : index
      %swap3A_759 = tpu.vector_load %arg6[%swap3A_757, %swap3A_758] {strides = array<i32>} : memref<32x1000xf32, #tpu.memory_space<vmem>>, vector<16xf32>,
      tpu.vector_store %arg6[%swap3A_757, %swap3A_758], %broadcast_in_dim3A_3 {strides = array<i32>} : memref<32x1000xf32, #tpu.memory_space<vmem>>, vector<16xf32>,
      %swap3A_760 = arith.index_cast %add3A_604 : i32 to index
      %swap3A_761 = arith.constant 832 : index
      %swap3A_762 = tpu.vector_load %arg6[%swap3A_760, %swap3A_761] {strides = array<i32>} : memref<32x1000xf32, #tpu.memory_space<vmem>>, vector<16xf32>,
      tpu.vector_store %arg6[%swap3A_760, %swap3A_761], %broadcast_in_dim3A_3 {strides = array<i32>} : memref<32x1000xf32, #tpu.memory_space<vmem>>, vector<16xf32>,
      %swap3A_763 = arith.index_cast %add3A_604 : i32 to index
      %swap3A_764 = arith.constant 848 : index
      %swap3A_765 = tpu.vector_load %arg6[%swap3A_763, %swap3A_764] {strides = array<i32>} : memref<32x1000xf32, #tpu.memory_space<vmem>>, vector<16xf32>,
      tpu.vector_store %arg6[%swap3A_763, %swap3A_764], %broadcast_in_dim3A_3 {strides = array<i32>} : memref<32x1000xf32, #tpu.memory_space<vmem>>, vector<16xf32>,
      %swap3A_766 = arith.index_cast %add3A_604 : i32 to index
      %swap3A_767 = arith.constant 864 : index
      %swap3A_768 = tpu.vector_load %arg6[%swap3A_766, %swap3A_767] {strides = array<i32>} : memref<32x1000xf32, #tpu.memory_space<vmem>>, vector<16xf32>,
      tpu.vector_store %arg6[%swap3A_766, %swap3A_767], %broadcast_in_dim3A_3 {strides = array<i32>} : memref<32x1000xf32, #tpu.memory_space<vmem>>, vector<16xf32>,
      %swap3A_769 = arith.index_cast %add3A_604 : i32 to index
      %swap3A_770 = arith.constant 880 : index
      %swap3A_771 = tpu.vector_load %arg6[%swap3A_769, %swap3A_770] {strides = array<i32>} : memref<32x1000xf32, #tpu.memory_space<vmem>>, vector<16xf32>,
      tpu.vector_store %arg6[%swap3A_769, %swap3A_770], %broadcast_in_dim3A_3 {strides = array<i32>} : memref<32x1000xf32, #tpu.memory_space<vmem>>, vector<16xf32>,
      %swap3A_772 = arith.index_cast %add3A_604 : i32 to index
      %swap3A_773 = arith.constant 896 : index
      %swap3A_774 = tpu.vector_load %arg6[%swap3A_772, %swap3A_773] {strides = array<i32>} : memref<32x1000xf32, #tpu.memory_space<vmem>>, vector<16xf32>,
      tpu.vector_store %arg6[%swap3A_772, %swap3A_773], %broadcast_in_dim3A_3 {strides = array<i32>} : memref<32x1000xf32, #tpu.memory_space<vmem>>, vector<16xf32>,
      %swap3A_775 = arith.index_cast %add3A_604 : i32 to index
      %swap3A_776 = arith.constant 912 : index
      %swap3A_777 = tpu.vector_load %arg6[%swap3A_775, %swap3A_776] {strides = array<i32>} : memref<32x1000xf32, #tpu.memory_space<vmem>>, vector<16xf32>,
      tpu.vector_store %arg6[%swap3A_775, %swap3A_776], %broadcast_in_dim3A_3 {strides = array<i32>} : memref<32x1000xf32, #tpu.memory_space<vmem>>, vector<16xf32>,
      %swap3A_778 = arith.index_cast %add3A_604 : i32 to index
      %swap3A_779 = arith.constant 928 : index
      %swap3A_780 = tpu.vector_load %arg6[%swap3A_778, %swap3A_779] {strides = array<i32>} : memref<32x1000xf32, #tpu.memory_space<vmem>>, vector<16xf32>,
      tpu.vector_store %arg6[%swap3A_778, %swap3A_779], %broadcast_in_dim3A_3 {strides = array<i32>} : memref<32x1000xf32, #tpu.memory_space<vmem>>, vector<16xf32>,
      %swap3A_781 = arith.index_cast %add3A_604 : i32 to index
      %swap3A_782 = arith.constant 944 : index
      %swap3A_783 = tpu.vector_load %arg6[%swap3A_781, %swap3A_782] {strides = array<i32>} : memref<32x1000xf32, #tpu.memory_space<vmem>>, vector<16xf32>,
      tpu.vector_store %arg6[%swap3A_781, %swap3A_782], %broadcast_in_dim3A_3 {strides = array<i32>} : memref<32x1000xf32, #tpu.memory_space<vmem>>, vector<16xf32>,
      %swap3A_784 = arith.index_cast %add3A_604 : i32 to index
      %swap3A_785 = arith.constant 960 : index
      %swap3A_786 = tpu.vector_load %arg6[%swap3A_784, %swap3A_785] {strides = array<i32>} : memref<32x1000xf32, #tpu.memory_space<vmem>>, vector<16xf32>,
      tpu.vector_store %arg6[%swap3A_784, %swap3A_785], %broadcast_in_dim3A_3 {strides = array<i32>} : memref<32x1000xf32, #tpu.memory_space<vmem>>, vector<16xf32>,
      %swap3A_787 = arith.index_cast %add3A_604 : i32 to index
      %swap3A_788 = arith.constant 976 : index
      %swap3A_789 = tpu.vector_load %arg6[%swap3A_787, %swap3A_788] {strides = array<i32>} : memref<32x1000xf32, #tpu.memory_space<vmem>>, vector<16xf32>,
      tpu.vector_store %arg6[%swap3A_787, %swap3A_788], %broadcast_in_dim3A_3 {strides = array<i32>} : memref<32x1000xf32, #tpu.memory_space<vmem>>, vector<16xf32>,
      %swap3A_790 = arith.index_cast %add3A_604 : i32 to index
      %swap3A_791 = arith.constant 984 : index
      %swap3A_792 = tpu.vector_load %arg6[%swap3A_790, %swap3A_791] {strides = array<i32>} : memref<32x1000xf32, #tpu.memory_space<vmem>>, vector<16xf32>,
      tpu.vector_store %arg6[%swap3A_790, %swap3A_791], %broadcast_in_dim3A_3 {strides = array<i32>} : memref<32x1000xf32, #tpu.memory_space<vmem>>, vector<16xf32>,
    }
    %scan3A_14 = arith.constant 32 : i32
    %get3A = arith.constant 0 : index
    %get3A_15 = tpu.vector_load %arg4[%get3A] {strides = array<i32>} : memref<512xi32, #tpu.memory_space<vmem>>, vector<16xi32>,
    %add3A_16 = arith.constant 0 : i32
    %add3A_17 = vector.broadcast %add3A_16 : i32 to vector<16xi32>
    %add3A_18 = arith.addi %iota3A, %add3A_17 : vector<16xi32>
    tpu.vector_store_idx %arg5[%add3A_18, %get3A_15], %broadcast_in_dim3A_5 : memref<32x1000xf32, #tpu.memory_space<vmem>>[vector<16xi32>, vector<16xi32>], vector<16xf32>,
    %get3A_19 = arith.constant 16 : index
    %get3A_20 = tpu.vector_load %arg4[%get3A_19] {strides = array<i32>} : memref<512xi32, #tpu.memory_space<vmem>>, vector<16xi32>,
    %add3A_21 = arith.constant 16 : i32
    %add3A_22 = vector.broadcast %add3A_21 : i32 to vector<16xi32>
    %add3A_23 = arith.addi %iota3A, %add3A_22 : vector<16xi32>
    tpu.vector_store_idx %arg5[%add3A_23, %get3A_20], %broadcast_in_dim3A_5 : memref<32x1000xf32, #tpu.memory_space<vmem>>[vector<16xi32>, vector<16xi32>], vector<16xf32>,
    %add3A_24 = arith.constant 0 : i32
    %add3A_25 = arith.addi %mul3A_2, %add3A_24 : i32
    %dma_start3A = arith.constant 0 : i32
    %dma_start3A_26 = arith.constant 0 : i32
    %dma_start3A_27 = tpu.memref_slice %arg3[%add3A_25, %dma_start3A_26] : memref<16384x1000xf32, #tpu.memory_space<hbm>> -> memref<32x1000xf32, #tpu.memory_space<hbm>>
    %dma_start3A_28 = tpu.memref_slice %arg7[%dma_start3A] : memref<2x!tpu.dma_semaphore, #tpu.memory_space<semaphore_mem>> -> memref<1x!tpu.dma_semaphore, #tpu.memory_space<semaphore_mem>>
    %dma_start3A_29 = tpu.memref_squeeze %dma_start3A_28 : memref<1x!tpu.dma_semaphore, #tpu.memory_space<semaphore_mem>> -> memref<!tpu.dma_semaphore, #tpu.memory_space<semaphore_mem>>
    %dma_start3A_30 = arith.constant 0 : i32
    %dma_start3A_31 = tpu.memref_slice %arg3[%add3A_25, %dma_start3A_30] : memref<16384x1000xf32, #tpu.memory_space<hbm>> -> memref<32x1000xf32, #tpu.memory_space<hbm>>
    tpu.enqueue_dma source(%arg5 : memref<32x1000xf32, #tpu.memory_space<vmem>>) target(%dma_start3A_31 : memref<32x1000xf32, #tpu.memory_space<hbm>>) target_semaphore(%dma_start3A_29 : memref<!tpu.dma_semaphore, #tpu.memory_space<semaphore_mem>>)
    %get3A_32 = arith.constant 32 : index
    %get3A_33 = tpu.vector_load %arg4[%get3A_32] {strides = array<i32>} : memref<512xi32, #tpu.memory_space<vmem>>, vector<16xi32>,
    %add3A_34 = arith.constant 0 : i32
    %add3A_35 = vector.broadcast %add3A_34 : i32 to vector<16xi32>
    %add3A_36 = arith.addi %iota3A, %add3A_35 : vector<16xi32>
    tpu.vector_store_idx %arg6[%add3A_36, %get3A_33], %broadcast_in_dim3A_5 : memref<32x1000xf32, #tpu.memory_space<vmem>>[vector<16xi32>, vector<16xi32>], vector<16xf32>,
    %get3A_37 = arith.constant 48 : index
    %get3A_38 = tpu.vector_load %arg4[%get3A_37] {strides = array<i32>} : memref<512xi32, #tpu.memory_space<vmem>>, vector<16xi32>,
    %add3A_39 = arith.constant 16 : i32
    %add3A_40 = vector.broadcast %add3A_39 : i32 to vector<16xi32>
    %add3A_41 = arith.addi %iota3A, %add3A_40 : vector<16xi32>
    tpu.vector_store_idx %arg6[%add3A_41, %get3A_38], %broadcast_in_dim3A_5 : memref<32x1000xf32, #tpu.memory_space<vmem>>[vector<16xi32>, vector<16xi32>], vector<16xf32>,
    %add3A_42 = arith.constant 32 : i32
    %add3A_43 = arith.addi %mul3A_2, %add3A_42 : i32
    %dma_start3A_44 = arith.constant 1 : i32
    %dma_start3A_45 = arith.constant 0 : i32
    %dma_start3A_46 = tpu.memref_slice %arg3[%add3A_43, %dma_start3A_45] : memref<16384x1000xf32, #tpu.memory_space<hbm>> -> memref<32x1000xf32, #tpu.memory_space<hbm>>
    %dma_start3A_47 = tpu.memref_slice %arg7[%dma_start3A_44] : memref<2x!tpu.dma_semaphore, #tpu.memory_space<semaphore_mem>> -> memref<1x!tpu.dma_semaphore, #tpu.memory_space<semaphore_mem>>
    %dma_start3A_48 = tpu.memref_squeeze %dma_start3A_47 : memref<1x!tpu.dma_semaphore, #tpu.memory_space<semaphore_mem>> -> memref<!tpu.dma_semaphore, #tpu.memory_space<semaphore_mem>>
    %dma_start3A_49 = arith.constant 0 : i32
    %dma_start3A_50 = tpu.memref_slice %arg3[%add3A_43, %dma_start3A_49] : memref<16384x1000xf32, #tpu.memory_space<hbm>> -> memref<32x1000xf32, #tpu.memory_space<hbm>>
    tpu.enqueue_dma source(%arg6 : memref<32x1000xf32, #tpu.memory_space<vmem>>) target(%dma_start3A_50 : memref<32x1000xf32, #tpu.memory_space<hbm>>) target_semaphore(%dma_start3A_48 : memref<!tpu.dma_semaphore, #tpu.memory_space<semaphore_mem>>)
    %add3A_51 = arith.constant 0 : i32
    %add3A_52 = arith.addi %mul3A_2, %add3A_51 : i32
    %dma_wait3A = arith.constant 0 : i32
    %dma_wait3A_53 = arith.constant 0 : i32
    %dma_wait3A_54 = tpu.memref_slice %arg3[%add3A_52, %dma_wait3A_53] : memref<16384x1000xf32, #tpu.memory_space<hbm>> -> memref<32x1000xf32, #tpu.memory_space<hbm>>
    %dma_wait3A_55 = tpu.memref_slice %arg7[%dma_wait3A] : memref<2x!tpu.dma_semaphore, #tpu.memory_space<semaphore_mem>> -> memref<1x!tpu.dma_semaphore, #tpu.memory_space<semaphore_mem>>
    %dma_wait3A_56 = tpu.memref_squeeze %dma_wait3A_55 : memref<1x!tpu.dma_semaphore, #tpu.memory_space<semaphore_mem>> -> memref<!tpu.dma_semaphore, #tpu.memory_space<semaphore_mem>>
    %dma_wait3A_57 = arith.constant 0 : i32
    %dma_wait3A_58 = tpu.memref_slice %arg3[%add3A_52, %dma_wait3A_57] : memref<16384x1000xf32, #tpu.memory_space<hbm>> -> memref<32x1000xf32, #tpu.memory_space<hbm>>
    tpu.wait_dma2 semaphore(%dma_wait3A_56 : memref<!tpu.dma_semaphore, #tpu.memory_space<semaphore_mem>>) src(%arg5 : memref<32x1000xf32, #tpu.memory_space<vmem>>) dst(%dma_wait3A_58 : memref<32x1000xf32, #tpu.memory_space<hbm>>)
    %get3A_59 = arith.constant 0 : index
    %get3A_60 = tpu.vector_load %arg4[%get3A_59] {strides = array<i32>} : memref<512xi32, #tpu.memory_space<vmem>>, vector<16xi32>,
    %add3A_61 = arith.constant 0 : i32
    %add3A_62 = vector.broadcast %add3A_61 : i32 to vector<16xi32>
    %add3A_63 = arith.addi %iota3A, %add3A_62 : vector<16xi32>
    tpu.vector_store_idx %arg5[%add3A_63, %get3A_60], %broadcast_in_dim3A_3 : memref<32x1000xf32, #tpu.memory_space<vmem>>[vector<16xi32>, vector<16xi32>], vector<16xf32>,
    %get3A_64 = arith.constant 16 : index
    %get3A_65 = tpu.vector_load %arg4[%get3A_64] {strides = array<i32>} : memref<512xi32, #tpu.memory_space<vmem>>, vector<16xi32>,
    %add3A_66 = arith.constant 16 : i32
    %add3A_67 = vector.broadcast %add3A_66 : i32 to vector<16xi32>
    %add3A_68 = arith.addi %iota3A, %add3A_67 : vector<16xi32>
    tpu.vector_store_idx %arg5[%add3A_68, %get3A_65], %broadcast_in_dim3A_3 : memref<32x1000xf32, #tpu.memory_space<vmem>>[vector<16xi32>, vector<16xi32>], vector<16xf32>,
    %get3A_69 = arith.constant 64 : index
    %get3A_70 = tpu.vector_load %arg4[%get3A_69] {strides = array<i32>} : memref<512xi32, #tpu.memory_space<vmem>>, vector<16xi32>,
    %add3A_71 = arith.constant 0 : i32
    %add3A_72 = vector.broadcast %add3A_71 : i32 to vector<16xi32>
    %add3A_73 = arith.addi %iota3A, %add3A_72 : vector<16xi32>
    tpu.vector_store_idx %arg5[%add3A_73, %get3A_70], %broadcast_in_dim3A_5 : memref<32x1000xf32, #tpu.memory_space<vmem>>[vector<16xi32>, vector<16xi32>], vector<16xf32>,
    %get3A_74 = arith.constant 80 : index
    %get3A_75 = tpu.vector_load %arg4[%get3A_74] {strides = array<i32>} : memref<512xi32, #tpu.memory_space<vmem>>, vector<16xi32>,
    %add3A_76 = arith.constant 16 : i32
    %add3A_77 = vector.broadcast %add3A_76 : i32 to vector<16xi32>
    %add3A_78 = arith.addi %iota3A, %add3A_77 : vector<16xi32>
    tpu.vector_store_idx %arg5[%add3A_78, %get3A_75], %broadcast_in_dim3A_5 : memref<32x1000xf32, #tpu.memory_space<vmem>>[vector<16xi32>, vector<16xi32>], vector<16xf32>,
    %add3A_79 = arith.constant 64 : i32
    %add3A_80 = arith.addi %mul3A_2, %add3A_79 : i32
    %dma_start3A_81 = arith.constant 0 : i32
    %dma_start3A_82 = arith.constant 0 : i32
    %dma_start3A_83 = tpu.memref_slice %arg3[%add3A_80, %dma_start3A_82] : memref<16384x1000xf32, #tpu.memory_space<hbm>> -> memref<32x1000xf32, #tpu.memory_space<hbm>>
    %dma_start3A_84 = tpu.memref_slice %arg7[%dma_start3A_81] : memref<2x!tpu.dma_semaphore, #tpu.memory_space<semaphore_mem>> -> memref<1x!tpu.dma_semaphore, #tpu.memory_space<semaphore_mem>>
    %dma_start3A_85 = tpu.memref_squeeze %dma_start3A_84 : memref<1x!tpu.dma_semaphore, #tpu.memory_space<semaphore_mem>> -> memref<!tpu.dma_semaphore, #tpu.memory_space<semaphore_mem>>
    %dma_start3A_86 = arith.constant 0 : i32
    %dma_start3A_87 = tpu.memref_slice %arg3[%add3A_80, %dma_start3A_86] : memref<16384x1000xf32, #tpu.memory_space<hbm>> -> memref<32x1000xf32, #tpu.memory_space<hbm>>
    tpu.enqueue_dma source(%arg5 : memref<32x1000xf32, #tpu.memory_space<vmem>>) target(%dma_start3A_87 : memref<32x1000xf32, #tpu.memory_space<hbm>>) target_semaphore(%dma_start3A_85 : memref<!tpu.dma_semaphore, #tpu.memory_space<semaphore_mem>>)
    %add3A_88 = arith.constant 32 : i32
    %add3A_89 = arith.addi %mul3A_2, %add3A_88 : i32
    %dma_wait3A_90 = arith.constant 1 : i32
    %dma_wait3A_91 = arith.constant 0 : i32
    %dma_wait3A_92 = tpu.memref_slice %arg3[%add3A_89, %dma_wait3A_91] : memref<16384x1000xf32, #tpu.memory_space<hbm>> -> memref<32x1000xf32, #tpu.memory_space<hbm>>
    %dma_wait3A_93 = tpu.memref_slice %arg7[%dma_wait3A_90] : memref<2x!tpu.dma_semaphore, #tpu.memory_space<semaphore_mem>> -> memref<1x!tpu.dma_semaphore, #tpu.memory_space<semaphore_mem>>
    %dma_wait3A_94 = tpu.memref_squeeze %dma_wait3A_93 : memref<1x!tpu.dma_semaphore, #tpu.memory_space<semaphore_mem>> -> memref<!tpu.dma_semaphore, #tpu.memory_space<semaphore_mem>>
    %dma_wait3A_95 = arith.constant 0 : i32
    %dma_wait3A_96 = tpu.memref_slice %arg3[%add3A_89, %dma_wait3A_95] : memref<16384x1000xf32, #tpu.memory_space<hbm>> -> memref<32x1000xf32, #tpu.memory_space<hbm>>
    tpu.wait_dma2 semaphore(%dma_wait3A_94 : memref<!tpu.dma_semaphore, #tpu.memory_space<semaphore_mem>>) src(%arg6 : memref<32x1000xf32, #tpu.memory_space<vmem>>) dst(%dma_wait3A_96 : memref<32x1000xf32, #tpu.memory_space<hbm>>)
    %get3A_97 = arith.constant 32 : index
    %get3A_98 = tpu.vector_load %arg4[%get3A_97] {strides = array<i32>} : memref<512xi32, #tpu.memory_space<vmem>>, vector<16xi32>,
    %add3A_99 = arith.constant 0 : i32
    %add3A_100 = vector.broadcast %add3A_99 : i32 to vector<16xi32>
    %add3A_101 = arith.addi %iota3A, %add3A_100 : vector<16xi32>
    tpu.vector_store_idx %arg6[%add3A_101, %get3A_98], %broadcast_in_dim3A_3 : memref<32x1000xf32, #tpu.memory_space<vmem>>[vector<16xi32>, vector<16xi32>], vector<16xf32>,
    %get3A_102 = arith.constant 48 : index
    %get3A_103 = tpu.vector_load %arg4[%get3A_102] {strides = array<i32>} : memref<512xi32, #tpu.memory_space<vmem>>, vector<16xi32>,
    %add3A_104 = arith.constant 16 : i32
    %add3A_105 = vector.broadcast %add3A_104 : i32 to vector<16xi32>
    %add3A_106 = arith.addi %iota3A, %add3A_105 : vector<16xi32>
    tpu.vector_store_idx %arg6[%add3A_106, %get3A_103], %broadcast_in_dim3A_3 : memref<32x1000xf32, #tpu.memory_space<vmem>>[vector<16xi32>, vector<16xi32>], vector<16xf32>,
    %get3A_107 = arith.constant 96 : index
    %get3A_108 = tpu.vector_load %arg4[%get3A_107] {strides = array<i32>} : memref<512xi32, #tpu.memory_space<vmem>>, vector<16xi32>,
    %add3A_109 = arith.constant 0 : i32
    %add3A_110 = vector.broadcast %add3A_109 : i32 to vector<16xi32>
    %add3A_111 = arith.addi %iota3A, %add3A_110 : vector<16xi32>
    tpu.vector_store_idx %arg6[%add3A_111, %get3A_108], %broadcast_in_dim3A_5 : memref<32x1000xf32, #tpu.memory_space<vmem>>[vector<16xi32>, vector<16xi32>], vector<16xf32>,
    %get3A_112 = arith.constant 112 : index
    %get3A_113 = tpu.vector_load %arg4[%get3A_112] {strides = array<i32>} : memref<512xi32, #tpu.memory_space<vmem>>, vector<16xi32>,
    %add3A_114 = arith.constant 16 : i32
    %add3A_115 = vector.broadcast %add3A_114 : i32 to vector<16xi32>
    %add3A_116 = arith.addi %iota3A, %add3A_115 : vector<16xi32>
    tpu.vector_store_idx %arg6[%add3A_116, %get3A_113], %broadcast_in_dim3A_5 : memref<32x1000xf32, #tpu.memory_space<vmem>>[vector<16xi32>, vector<16xi32>], vector<16xf32>,
    %add3A_117 = arith.constant 96 : i32
    %add3A_118 = arith.addi %mul3A_2, %add3A_117 : i32
    %dma_start3A_119 = arith.constant 1 : i32
    %dma_start3A_120 = arith.constant 0 : i32
    %dma_start3A_121 = tpu.memref_slice %arg3[%add3A_118, %dma_start3A_120] : memref<16384x1000xf32, #tpu.memory_space<hbm>> -> memref<32x1000xf32, #tpu.memory_space<hbm>>
    %dma_start3A_122 = tpu.memref_slice %arg7[%dma_start3A_119] : memref<2x!tpu.dma_semaphore, #tpu.memory_space<semaphore_mem>> -> memref<1x!tpu.dma_semaphore, #tpu.memory_space<semaphore_mem>>
    %dma_start3A_123 = tpu.memref_squeeze %dma_start3A_122 : memref<1x!tpu.dma_semaphore, #tpu.memory_space<semaphore_mem>> -> memref<!tpu.dma_semaphore, #tpu.memory_space<semaphore_mem>>
    %dma_start3A_124 = arith.constant 0 : i32
    %dma_start3A_125 = tpu.memref_slice %arg3[%add3A_118, %dma_start3A_124] : memref<16384x1000xf32, #tpu.memory_space<hbm>> -> memref<32x1000xf32, #tpu.memory_space<hbm>>
    tpu.enqueue_dma source(%arg6 : memref<32x1000xf32, #tpu.memory_space<vmem>>) target(%dma_start3A_125 : memref<32x1000xf32, #tpu.memory_space<hbm>>) target_semaphore(%dma_start3A_123 : memref<!tpu.dma_semaphore, #tpu.memory_space<semaphore_mem>>)
    %add3A_126 = arith.constant 64 : i32
    %add3A_127 = arith.addi %mul3A_2, %add3A_126 : i32
    %dma_wait3A_128 = arith.constant 0 : i32
    %dma_wait3A_129 = arith.constant 0 : i32
    %dma_wait3A_130 = tpu.memref_slice %arg3[%add3A_127, %dma_wait3A_129] : memref<16384x1000xf32, #tpu.memory_space<hbm>> -> memref<32x1000xf32, #tpu.memory_space<hbm>>
    %dma_wait3A_131 = tpu.memref_slice %arg7[%dma_wait3A_128] : memref<2x!tpu.dma_semaphore, #tpu.memory_space<semaphore_mem>> -> memref<1x!tpu.dma_semaphore, #tpu.memory_space<semaphore_mem>>
    %dma_wait3A_132 = tpu.memref_squeeze %dma_wait3A_131 : memref<1x!tpu.dma_semaphore, #tpu.memory_space<semaphore_mem>> -> memref<!tpu.dma_semaphore, #tpu.memory_space<semaphore_mem>>
    %dma_wait3A_133 = arith.constant 0 : i32
    %dma_wait3A_134 = tpu.memref_slice %arg3[%add3A_127, %dma_wait3A_133] : memref<16384x1000xf32, #tpu.memory_space<hbm>> -> memref<32x1000xf32, #tpu.memory_space<hbm>>
    tpu.wait_dma2 semaphore(%dma_wait3A_132 : memref<!tpu.dma_semaphore, #tpu.memory_space<semaphore_mem>>) src(%arg5 : memref<32x1000xf32, #tpu.memory_space<vmem>>) dst(%dma_wait3A_134 : memref<32x1000xf32, #tpu.memory_space<hbm>>)
    %get3A_135 = arith.constant 64 : index
    %get3A_136 = tpu.vector_load %arg4[%get3A_135] {strides = array<i32>} : memref<512xi32, #tpu.memory_space<vmem>>, vector<16xi32>,
    %add3A_137 = arith.constant 0 : i32
    %add3A_138 = vector.broadcast %add3A_137 : i32 to vector<16xi32>
    %add3A_139 = arith.addi %iota3A, %add3A_138 : vector<16xi32>
    tpu.vector_store_idx %arg5[%add3A_139, %get3A_136], %broadcast_in_dim3A_3 : memref<32x1000xf32, #tpu.memory_space<vmem>>[vector<16xi32>, vector<16xi32>], vector<16xf32>,
    %get3A_140 = arith.constant 80 : index
    %get3A_141 = tpu.vector_load %arg4[%get3A_140] {strides = array<i32>} : memref<512xi32, #tpu.memory_space<vmem>>, vector<16xi32>,
    %add3A_142 = arith.constant 16 : i32
    %add3A_143 = vector.broadcast %add3A_142 : i32 to vector<16xi32>
    %add3A_144 = arith.addi %iota3A, %add3A_143 : vector<16xi32>
    tpu.vector_store_idx %arg5[%add3A_144, %get3A_141], %broadcast_in_dim3A_3 : memref<32x1000xf32, #tpu.memory_space<vmem>>[vector<16xi32>, vector<16xi32>], vector<16xf32>,
    %get3A_145 = arith.constant 128 : index
    %get3A_146 = tpu.vector_load %arg4[%get3A_145] {strides = array<i32>} : memref<512xi32, #tpu.memory_space<vmem>>, vector<16xi32>,
    %add3A_147 = arith.constant 0 : i32
    %add3A_148 = vector.broadcast %add3A_147 : i32 to vector<16xi32>
    %add3A_149 = arith.addi %iota3A, %add3A_148 : vector<16xi32>
    tpu.vector_store_idx %arg5[%add3A_149, %get3A_146], %broadcast_in_dim3A_5 : memref<32x1000xf32, #tpu.memory_space<vmem>>[vector<16xi32>, vector<16xi32>], vector<16xf32>,
    %get3A_150 = arith.constant 144 : index
    %get3A_151 = tpu.vector_load %arg4[%get3A_150] {strides = array<i32>} : memref<512xi32, #tpu.memory_space<vmem>>, vector<16xi32>,
    %add3A_152 = arith.constant 16 : i32
    %add3A_153 = vector.broadcast %add3A_152 : i32 to vector<16xi32>
    %add3A_154 = arith.addi %iota3A, %add3A_153 : vector<16xi32>
    tpu.vector_store_idx %arg5[%add3A_154, %get3A_151], %broadcast_in_dim3A_5 : memref<32x1000xf32, #tpu.memory_space<vmem>>[vector<16xi32>, vector<16xi32>], vector<16xf32>,
    %add3A_155 = arith.constant 128 : i32
    %add3A_156 = arith.addi %mul3A_2, %add3A_155 : i32
    %dma_start3A_157 = arith.constant 0 : i32
    %dma_start3A_158 = arith.constant 0 : i32
    %dma_start3A_159 = tpu.memref_slice %arg3[%add3A_156, %dma_start3A_158] : memref<16384x1000xf32, #tpu.memory_space<hbm>> -> memref<32x1000xf32, #tpu.memory_space<hbm>>
    %dma_start3A_160 = tpu.memref_slice %arg7[%dma_start3A_157] : memref<2x!tpu.dma_semaphore, #tpu.memory_space<semaphore_mem>> -> memref<1x!tpu.dma_semaphore, #tpu.memory_space<semaphore_mem>>
    %dma_start3A_161 = tpu.memref_squeeze %dma_start3A_160 : memref<1x!tpu.dma_semaphore, #tpu.memory_space<semaphore_mem>> -> memref<!tpu.dma_semaphore, #tpu.memory_space<semaphore_mem>>
    %dma_start3A_162 = arith.constant 0 : i32
    %dma_start3A_163 = tpu.memref_slice %arg3[%add3A_156, %dma_start3A_162] : memref<16384x1000xf32, #tpu.memory_space<hbm>> -> memref<32x1000xf32, #tpu.memory_space<hbm>>
    tpu.enqueue_dma source(%arg5 : memref<32x1000xf32, #tpu.memory_space<vmem>>) target(%dma_start3A_163 : memref<32x1000xf32, #tpu.memory_space<hbm>>) target_semaphore(%dma_start3A_161 : memref<!tpu.dma_semaphore, #tpu.memory_space<semaphore_mem>>)
    %add3A_164 = arith.constant 96 : i32
    %add3A_165 = arith.addi %mul3A_2, %add3A_164 : i32
    %dma_wait3A_166 = arith.constant 1 : i32
    %dma_wait3A_167 = arith.constant 0 : i32
    %dma_wait3A_168 = tpu.memref_slice %arg3[%add3A_165, %dma_wait3A_167] : memref<16384x1000xf32, #tpu.memory_space<hbm>> -> memref<32x1000xf32, #tpu.memory_space<hbm>>
    %dma_wait3A_169 = tpu.memref_slice %arg7[%dma_wait3A_166] : memref<2x!tpu.dma_semaphore, #tpu.memory_space<semaphore_mem>> -> memref<1x!tpu.dma_semaphore, #tpu.memory_space<semaphore_mem>>
    %dma_wait3A_170 = tpu.memref_squeeze %dma_wait3A_169 : memref<1x!tpu.dma_semaphore, #tpu.memory_space<semaphore_mem>> -> memref<!tpu.dma_semaphore, #tpu.memory_space<semaphore_mem>>
    %dma_wait3A_171 = arith.constant 0 : i32
    %dma_wait3A_172 = tpu.memref_slice %arg3[%add3A_165, %dma_wait3A_171] : memref<16384x1000xf32, #tpu.memory_space<hbm>> -> memref<32x1000xf32, #tpu.memory_space<hbm>>
    tpu.wait_dma2 semaphore(%dma_wait3A_170 : memref<!tpu.dma_semaphore, #tpu.memory_space<semaphore_mem>>) src(%arg6 : memref<32x1000xf32, #tpu.memory_space<vmem>>) dst(%dma_wait3A_172 : memref<32x1000xf32, #tpu.memory_space<hbm>>)
    %get3A_173 = arith.constant 96 : index
    %get3A_174 = tpu.vector_load %arg4[%get3A_173] {strides = array<i32>} : memref<512xi32, #tpu.memory_space<vmem>>, vector<16xi32>,
    %add3A_175 = arith.constant 0 : i32
    %add3A_176 = vector.broadcast %add3A_175 : i32 to vector<16xi32>
    %add3A_177 = arith.addi %iota3A, %add3A_176 : vector<16xi32>
    tpu.vector_store_idx %arg6[%add3A_177, %get3A_174], %broadcast_in_dim3A_3 : memref<32x1000xf32, #tpu.memory_space<vmem>>[vector<16xi32>, vector<16xi32>], vector<16xf32>,
    %get3A_178 = arith.constant 112 : index
    %get3A_179 = tpu.vector_load %arg4[%get3A_178] {strides = array<i32>} : memref<512xi32, #tpu.memory_space<vmem>>, vector<16xi32>,
    %add3A_180 = arith.constant 16 : i32
    %add3A_181 = vector.broadcast %add3A_180 : i32 to vector<16xi32>
    %add3A_182 = arith.addi %iota3A, %add3A_181 : vector<16xi32>
    tpu.vector_store_idx %arg6[%add3A_182, %get3A_179], %broadcast_in_dim3A_3 : memref<32x1000xf32, #tpu.memory_space<vmem>>[vector<16xi32>, vector<16xi32>], vector<16xf32>,
    %get3A_183 = arith.constant 160 : index
    %get3A_184 = tpu.vector_load %arg4[%get3A_183] {strides = array<i32>} : memref<512xi32, #tpu.memory_space<vmem>>, vector<16xi32>,
    %add3A_185 = arith.constant 0 : i32
    %add3A_186 = vector.broadcast %add3A_185 : i32 to vector<16xi32>
    %add3A_187 = arith.addi %iota3A, %add3A_186 : vector<16xi32>
    tpu.vector_store_idx %arg6[%add3A_187, %get3A_184], %broadcast_in_dim3A_5 : memref<32x1000xf32, #tpu.memory_space<vmem>>[vector<16xi32>, vector<16xi32>], vector<16xf32>,
    %get3A_188 = arith.constant 176 : index
    %get3A_189 = tpu.vector_load %arg4[%get3A_188] {strides = array<i32>} : memref<512xi32, #tpu.memory_space<vmem>>, vector<16xi32>,
    %add3A_190 = arith.constant 16 : i32
    %add3A_191 = vector.broadcast %add3A_190 : i32 to vector<16xi32>
    %add3A_192 = arith.addi %iota3A, %add3A_191 : vector<16xi32>
    tpu.vector_store_idx %arg6[%add3A_192, %get3A_189], %broadcast_in_dim3A_5 : memref<32x1000xf32, #tpu.memory_space<vmem>>[vector<16xi32>, vector<16xi32>], vector<16xf32>,
    %add3A_193 = arith.constant 160 : i32
    %add3A_194 = arith.addi %mul3A_2, %add3A_193 : i32
    %dma_start3A_195 = arith.constant 1 : i32
    %dma_start3A_196 = arith.constant 0 : i32
    %dma_start3A_197 = tpu.memref_slice %arg3[%add3A_194, %dma_start3A_196] : memref<16384x1000xf32, #tpu.memory_space<hbm>> -> memref<32x1000xf32, #tpu.memory_space<hbm>>
    %dma_start3A_198 = tpu.memref_slice %arg7[%dma_start3A_195] : memref<2x!tpu.dma_semaphore, #tpu.memory_space<semaphore_mem>> -> memref<1x!tpu.dma_semaphore, #tpu.memory_space<semaphore_mem>>
    %dma_start3A_199 = tpu.memref_squeeze %dma_start3A_198 : memref<1x!tpu.dma_semaphore, #tpu.memory_space<semaphore_mem>> -> memref<!tpu.dma_semaphore, #tpu.memory_space<semaphore_mem>>
    %dma_start3A_200 = arith.constant 0 : i32
    %dma_start3A_201 = tpu.memref_slice %arg3[%add3A_194, %dma_start3A_200] : memref<16384x1000xf32, #tpu.memory_space<hbm>> -> memref<32x1000xf32, #tpu.memory_space<hbm>>
    tpu.enqueue_dma source(%arg6 : memref<32x1000xf32, #tpu.memory_space<vmem>>) target(%dma_start3A_201 : memref<32x1000xf32, #tpu.memory_space<hbm>>) target_semaphore(%dma_start3A_199 : memref<!tpu.dma_semaphore, #tpu.memory_space<semaphore_mem>>)
    %add3A_202 = arith.constant 128 : i32
    %add3A_203 = arith.addi %mul3A_2, %add3A_202 : i32
    %dma_wait3A_204 = arith.constant 0 : i32
    %dma_wait3A_205 = arith.constant 0 : i32
    %dma_wait3A_206 = tpu.memref_slice %arg3[%add3A_203, %dma_wait3A_205] : memref<16384x1000xf32, #tpu.memory_space<hbm>> -> memref<32x1000xf32, #tpu.memory_space<hbm>>
    %dma_wait3A_207 = tpu.memref_slice %arg7[%dma_wait3A_204] : memref<2x!tpu.dma_semaphore, #tpu.memory_space<semaphore_mem>> -> memref<1x!tpu.dma_semaphore, #tpu.memory_space<semaphore_mem>>
    %dma_wait3A_208 = tpu.memref_squeeze %dma_wait3A_207 : memref<1x!tpu.dma_semaphore, #tpu.memory_space<semaphore_mem>> -> memref<!tpu.dma_semaphore, #tpu.memory_space<semaphore_mem>>
    %dma_wait3A_209 = arith.constant 0 : i32
    %dma_wait3A_210 = tpu.memref_slice %arg3[%add3A_203, %dma_wait3A_209] : memref<16384x1000xf32, #tpu.memory_space<hbm>> -> memref<32x1000xf32, #tpu.memory_space<hbm>>
    tpu.wait_dma2 semaphore(%dma_wait3A_208 : memref<!tpu.dma_semaphore, #tpu.memory_space<semaphore_mem>>) src(%arg5 : memref<32x1000xf32, #tpu.memory_space<vmem>>) dst(%dma_wait3A_210 : memref<32x1000xf32, #tpu.memory_space<hbm>>)
    %get3A_211 = arith.constant 128 : index
    %get3A_212 = tpu.vector_load %arg4[%get3A_211] {strides = array<i32>} : memref<512xi32, #tpu.memory_space<vmem>>, vector<16xi32>,
    %add3A_213 = arith.constant 0 : i32
    %add3A_214 = vector.broadcast %add3A_213 : i32 to vector<16xi32>
    %add3A_215 = arith.addi %iota3A, %add3A_214 : vector<16xi32>
    tpu.vector_store_idx %arg5[%add3A_215, %get3A_212], %broadcast_in_dim3A_3 : memref<32x1000xf32, #tpu.memory_space<vmem>>[vector<16xi32>, vector<16xi32>], vector<16xf32>,
    %get3A_216 = arith.constant 144 : index
    %get3A_217 = tpu.vector_load %arg4[%get3A_216] {strides = array<i32>} : memref<512xi32, #tpu.memory_space<vmem>>, vector<16xi32>,
    %add3A_218 = arith.constant 16 : i32
    %add3A_219 = vector.broadcast %add3A_218 : i32 to vector<16xi32>
    %add3A_220 = arith.addi %iota3A, %add3A_219 : vector<16xi32>
    tpu.vector_store_idx %arg5[%add3A_220, %get3A_217], %broadcast_in_dim3A_3 : memref<32x1000xf32, #tpu.memory_space<vmem>>[vector<16xi32>, vector<16xi32>], vector<16xf32>,
    %get3A_221 = arith.constant 192 : index
    %get3A_222 = tpu.vector_load %arg4[%get3A_221] {strides = array<i32>} : memref<512xi32, #tpu.memory_space<vmem>>, vector<16xi32>,
    %add3A_223 = arith.constant 0 : i32
    %add3A_224 = vector.broadcast %add3A_223 : i32 to vector<16xi32>
    %add3A_225 = arith.addi %iota3A, %add3A_224 : vector<16xi32>
    tpu.vector_store_idx %arg5[%add3A_225, %get3A_222], %broadcast_in_dim3A_5 : memref<32x1000xf32, #tpu.memory_space<vmem>>[vector<16xi32>, vector<16xi32>], vector<16xf32>,
    %get3A_226 = arith.constant 208 : index
    %get3A_227 = tpu.vector_load %arg4[%get3A_226] {strides = array<i32>} : memref<512xi32, #tpu.memory_space<vmem>>, vector<16xi32>,
    %add3A_228 = arith.constant 16 : i32
    %add3A_229 = vector.broadcast %add3A_228 : i32 to vector<16xi32>
    %add3A_230 = arith.addi %iota3A, %add3A_229 : vector<16xi32>
    tpu.vector_store_idx %arg5[%add3A_230, %get3A_227], %broadcast_in_dim3A_5 : memref<32x1000xf32, #tpu.memory_space<vmem>>[vector<16xi32>, vector<16xi32>], vector<16xf32>,
    %add3A_231 = arith.constant 192 : i32
    %add3A_232 = arith.addi %mul3A_2, %add3A_231 : i32
    %dma_start3A_233 = arith.constant 0 : i32
    %dma_start3A_234 = arith.constant 0 : i32
    %dma_start3A_235 = tpu.memref_slice %arg3[%add3A_232, %dma_start3A_234] : memref<16384x1000xf32, #tpu.memory_space<hbm>> -> memref<32x1000xf32, #tpu.memory_space<hbm>>
    %dma_start3A_236 = tpu.memref_slice %arg7[%dma_start3A_233] : memref<2x!tpu.dma_semaphore, #tpu.memory_space<semaphore_mem>> -> memref<1x!tpu.dma_semaphore, #tpu.memory_space<semaphore_mem>>
    %dma_start3A_237 = tpu.memref_squeeze %dma_start3A_236 : memref<1x!tpu.dma_semaphore, #tpu.memory_space<semaphore_mem>> -> memref<!tpu.dma_semaphore, #tpu.memory_space<semaphore_mem>>
    %dma_start3A_238 = arith.constant 0 : i32
    %dma_start3A_239 = tpu.memref_slice %arg3[%add3A_232, %dma_start3A_238] : memref<16384x1000xf32, #tpu.memory_space<hbm>> -> memref<32x1000xf32, #tpu.memory_space<hbm>>
    tpu.enqueue_dma source(%arg5 : memref<32x1000xf32, #tpu.memory_space<vmem>>) target(%dma_start3A_239 : memref<32x1000xf32, #tpu.memory_space<hbm>>) target_semaphore(%dma_start3A_237 : memref<!tpu.dma_semaphore, #tpu.memory_space<semaphore_mem>>)
    %add3A_240 = arith.constant 160 : i32
    %add3A_241 = arith.addi %mul3A_2, %add3A_240 : i32
    %dma_wait3A_242 = arith.constant 1 : i32
    %dma_wait3A_243 = arith.constant 0 : i32
    %dma_wait3A_244 = tpu.memref_slice %arg3[%add3A_241, %dma_wait3A_243] : memref<16384x1000xf32, #tpu.memory_space<hbm>> -> memref<32x1000xf32, #tpu.memory_space<hbm>>
    %dma_wait3A_245 = tpu.memref_slice %arg7[%dma_wait3A_242] : memref<2x!tpu.dma_semaphore, #tpu.memory_space<semaphore_mem>> -> memref<1x!tpu.dma_semaphore, #tpu.memory_space<semaphore_mem>>
    %dma_wait3A_246 = tpu.memref_squeeze %dma_wait3A_245 : memref<1x!tpu.dma_semaphore, #tpu.memory_space<semaphore_mem>> -> memref<!tpu.dma_semaphore, #tpu.memory_space<semaphore_mem>>
    %dma_wait3A_247 = arith.constant 0 : i32
    %dma_wait3A_248 = tpu.memref_slice %arg3[%add3A_241, %dma_wait3A_247] : memref<16384x1000xf32, #tpu.memory_space<hbm>> -> memref<32x1000xf32, #tpu.memory_space<hbm>>
    tpu.wait_dma2 semaphore(%dma_wait3A_246 : memref<!tpu.dma_semaphore, #tpu.memory_space<semaphore_mem>>) src(%arg6 : memref<32x1000xf32, #tpu.memory_space<vmem>>) dst(%dma_wait3A_248 : memref<32x1000xf32, #tpu.memory_space<hbm>>)
    %get3A_249 = arith.constant 160 : index
    %get3A_250 = tpu.vector_load %arg4[%get3A_249] {strides = array<i32>} : memref<512xi32, #tpu.memory_space<vmem>>, vector<16xi32>,
    %add3A_251 = arith.constant 0 : i32
    %add3A_252 = vector.broadcast %add3A_251 : i32 to vector<16xi32>
    %add3A_253 = arith.addi %iota3A, %add3A_252 : vector<16xi32>
    tpu.vector_store_idx %arg6[%add3A_253, %get3A_250], %broadcast_in_dim3A_3 : memref<32x1000xf32, #tpu.memory_space<vmem>>[vector<16xi32>, vector<16xi32>], vector<16xf32>,
    %get3A_254 = arith.constant 176 : index
    %get3A_255 = tpu.vector_load %arg4[%get3A_254] {strides = array<i32>} : memref<512xi32, #tpu.memory_space<vmem>>, vector<16xi32>,
    %add3A_256 = arith.constant 16 : i32
    %add3A_257 = vector.broadcast %add3A_256 : i32 to vector<16xi32>
    %add3A_258 = arith.addi %iota3A, %add3A_257 : vector<16xi32>
    tpu.vector_store_idx %arg6[%add3A_258, %get3A_255], %broadcast_in_dim3A_3 : memref<32x1000xf32, #tpu.memory_space<vmem>>[vector<16xi32>, vector<16xi32>], vector<16xf32>,
    %get3A_259 = arith.constant 224 : index
    %get3A_260 = tpu.vector_load %arg4[%get3A_259] {strides = array<i32>} : memref<512xi32, #tpu.memory_space<vmem>>, vector<16xi32>,
    %add3A_261 = arith.constant 0 : i32
    %add3A_262 = vector.broadcast %add3A_261 : i32 to vector<16xi32>
    %add3A_263 = arith.addi %iota3A, %add3A_262 : vector<16xi32>
    tpu.vector_store_idx %arg6[%add3A_263, %get3A_260], %broadcast_in_dim3A_5 : memref<32x1000xf32, #tpu.memory_space<vmem>>[vector<16xi32>, vector<16xi32>], vector<16xf32>,
    %get3A_264 = arith.constant 240 : index
    %get3A_265 = tpu.vector_load %arg4[%get3A_264] {strides = array<i32>} : memref<512xi32, #tpu.memory_space<vmem>>, vector<16xi32>,
    %add3A_266 = arith.constant 16 : i32
    %add3A_267 = vector.broadcast %add3A_266 : i32 to vector<16xi32>
    %add3A_268 = arith.addi %iota3A, %add3A_267 : vector<16xi32>
    tpu.vector_store_idx %arg6[%add3A_268, %get3A_265], %broadcast_in_dim3A_5 : memref<32x1000xf32, #tpu.memory_space<vmem>>[vector<16xi32>, vector<16xi32>], vector<16xf32>,
    %add3A_269 = arith.constant 224 : i32
    %add3A_270 = arith.addi %mul3A_2, %add3A_269 : i32
    %dma_start3A_271 = arith.constant 1 : i32
    %dma_start3A_272 = arith.constant 0 : i32
    %dma_start3A_273 = tpu.memref_slice %arg3[%add3A_270, %dma_start3A_272] : memref<16384x1000xf32, #tpu.memory_space<hbm>> -> memref<32x1000xf32, #tpu.memory_space<hbm>>
    %dma_start3A_274 = tpu.memref_slice %arg7[%dma_start3A_271] : memref<2x!tpu.dma_semaphore, #tpu.memory_space<semaphore_mem>> -> memref<1x!tpu.dma_semaphore, #tpu.memory_space<semaphore_mem>>
    %dma_start3A_275 = tpu.memref_squeeze %dma_start3A_274 : memref<1x!tpu.dma_semaphore, #tpu.memory_space<semaphore_mem>> -> memref<!tpu.dma_semaphore, #tpu.memory_space<semaphore_mem>>
    %dma_start3A_276 = arith.constant 0 : i32
    %dma_start3A_277 = tpu.memref_slice %arg3[%add3A_270, %dma_start3A_276] : memref<16384x1000xf32, #tpu.memory_space<hbm>> -> memref<32x1000xf32, #tpu.memory_space<hbm>>
    tpu.enqueue_dma source(%arg6 : memref<32x1000xf32, #tpu.memory_space<vmem>>) target(%dma_start3A_277 : memref<32x1000xf32, #tpu.memory_space<hbm>>) target_semaphore(%dma_start3A_275 : memref<!tpu.dma_semaphore, #tpu.memory_space<semaphore_mem>>)
    %add3A_278 = arith.constant 192 : i32
    %add3A_279 = arith.addi %mul3A_2, %add3A_278 : i32
    %dma_wait3A_280 = arith.constant 0 : i32
    %dma_wait3A_281 = arith.constant 0 : i32
    %dma_wait3A_282 = tpu.memref_slice %arg3[%add3A_279, %dma_wait3A_281] : memref<16384x1000xf32, #tpu.memory_space<hbm>> -> memref<32x1000xf32, #tpu.memory_space<hbm>>
    %dma_wait3A_283 = tpu.memref_slice %arg7[%dma_wait3A_280] : memref<2x!tpu.dma_semaphore, #tpu.memory_space<semaphore_mem>> -> memref<1x!tpu.dma_semaphore, #tpu.memory_space<semaphore_mem>>
    %dma_wait3A_284 = tpu.memref_squeeze %dma_wait3A_283 : memref<1x!tpu.dma_semaphore, #tpu.memory_space<semaphore_mem>> -> memref<!tpu.dma_semaphore, #tpu.memory_space<semaphore_mem>>
    %dma_wait3A_285 = arith.constant 0 : i32
    %dma_wait3A_286 = tpu.memref_slice %arg3[%add3A_279, %dma_wait3A_285] : memref<16384x1000xf32, #tpu.memory_space<hbm>> -> memref<32x1000xf32, #tpu.memory_space<hbm>>
    tpu.wait_dma2 semaphore(%dma_wait3A_284 : memref<!tpu.dma_semaphore, #tpu.memory_space<semaphore_mem>>) src(%arg5 : memref<32x1000xf32, #tpu.memory_space<vmem>>) dst(%dma_wait3A_286 : memref<32x1000xf32, #tpu.memory_space<hbm>>)
    %get3A_287 = arith.constant 192 : index
    %get3A_288 = tpu.vector_load %arg4[%get3A_287] {strides = array<i32>} : memref<512xi32, #tpu.memory_space<vmem>>, vector<16xi32>,
    %add3A_289 = arith.constant 0 : i32
    %add3A_290 = vector.broadcast %add3A_289 : i32 to vector<16xi32>
    %add3A_291 = arith.addi %iota3A, %add3A_290 : vector<16xi32>
    tpu.vector_store_idx %arg5[%add3A_291, %get3A_288], %broadcast_in_dim3A_3 : memref<32x1000xf32, #tpu.memory_space<vmem>>[vector<16xi32>, vector<16xi32>], vector<16xf32>,
    %get3A_292 = arith.constant 208 : index
    %get3A_293 = tpu.vector_load %arg4[%get3A_292] {strides = array<i32>} : memref<512xi32, #tpu.memory_space<vmem>>, vector<16xi32>,
    %add3A_294 = arith.constant 16 : i32
    %add3A_295 = vector.broadcast %add3A_294 : i32 to vector<16xi32>
    %add3A_296 = arith.addi %iota3A, %add3A_295 : vector<16xi32>
    tpu.vector_store_idx %arg5[%add3A_296, %get3A_293], %broadcast_in_dim3A_3 : memref<32x1000xf32, #tpu.memory_space<vmem>>[vector<16xi32>, vector<16xi32>], vector<16xf32>,
    %get3A_297 = arith.constant 256 : index
    %get3A_298 = tpu.vector_load %arg4[%get3A_297] {strides = array<i32>} : memref<512xi32, #tpu.memory_space<vmem>>, vector<16xi32>,
    %add3A_299 = arith.constant 0 : i32
    %add3A_300 = vector.broadcast %add3A_299 : i32 to vector<16xi32>
    %add3A_301 = arith.addi %iota3A, %add3A_300 : vector<16xi32>
    tpu.vector_store_idx %arg5[%add3A_301, %get3A_298], %broadcast_in_dim3A_5 : memref<32x1000xf32, #tpu.memory_space<vmem>>[vector<16xi32>, vector<16xi32>], vector<16xf32>,
    %get3A_302 = arith.constant 272 : index
    %get3A_303 = tpu.vector_load %arg4[%get3A_302] {strides = array<i32>} : memref<512xi32, #tpu.memory_space<vmem>>, vector<16xi32>,
    %add3A_304 = arith.constant 16 : i32
    %add3A_305 = vector.broadcast %add3A_304 : i32 to vector<16xi32>
    %add3A_306 = arith.addi %iota3A, %add3A_305 : vector<16xi32>
    tpu.vector_store_idx %arg5[%add3A_306, %get3A_303], %broadcast_in_dim3A_5 : memref<32x1000xf32, #tpu.memory_space<vmem>>[vector<16xi32>, vector<16xi32>], vector<16xf32>,
    %add3A_307 = arith.constant 256 : i32
    %add3A_308 = arith.addi %mul3A_2, %add3A_307 : i32
    %dma_start3A_309 = arith.constant 0 : i32
    %dma_start3A_310 = arith.constant 0 : i32
    %dma_start3A_311 = tpu.memref_slice %arg3[%add3A_308, %dma_start3A_310] : memref<16384x1000xf32, #tpu.memory_space<hbm>> -> memref<32x1000xf32, #tpu.memory_space<hbm>>
    %dma_start3A_312 = tpu.memref_slice %arg7[%dma_start3A_309] : memref<2x!tpu.dma_semaphore, #tpu.memory_space<semaphore_mem>> -> memref<1x!tpu.dma_semaphore, #tpu.memory_space<semaphore_mem>>
    %dma_start3A_313 = tpu.memref_squeeze %dma_start3A_312 : memref<1x!tpu.dma_semaphore, #tpu.memory_space<semaphore_mem>> -> memref<!tpu.dma_semaphore, #tpu.memory_space<semaphore_mem>>
    %dma_start3A_314 = arith.constant 0 : i32
    %dma_start3A_315 = tpu.memref_slice %arg3[%add3A_308, %dma_start3A_314] : memref<16384x1000xf32, #tpu.memory_space<hbm>> -> memref<32x1000xf32, #tpu.memory_space<hbm>>
    tpu.enqueue_dma source(%arg5 : memref<32x1000xf32, #tpu.memory_space<vmem>>) target(%dma_start3A_315 : memref<32x1000xf32, #tpu.memory_space<hbm>>) target_semaphore(%dma_start3A_313 : memref<!tpu.dma_semaphore, #tpu.memory_space<semaphore_mem>>)
    %add3A_316 = arith.constant 224 : i32
    %add3A_317 = arith.addi %mul3A_2, %add3A_316 : i32
    %dma_wait3A_318 = arith.constant 1 : i32
    %dma_wait3A_319 = arith.constant 0 : i32
    %dma_wait3A_320 = tpu.memref_slice %arg3[%add3A_317, %dma_wait3A_319] : memref<16384x1000xf32, #tpu.memory_space<hbm>> -> memref<32x1000xf32, #tpu.memory_space<hbm>>
    %dma_wait3A_321 = tpu.memref_slice %arg7[%dma_wait3A_318] : memref<2x!tpu.dma_semaphore, #tpu.memory_space<semaphore_mem>> -> memref<1x!tpu.dma_semaphore, #tpu.memory_space<semaphore_mem>>
    %dma_wait3A_322 = tpu.memref_squeeze %dma_wait3A_321 : memref<1x!tpu.dma_semaphore, #tpu.memory_space<semaphore_mem>> -> memref<!tpu.dma_semaphore, #tpu.memory_space<semaphore_mem>>
    %dma_wait3A_323 = arith.constant 0 : i32
    %dma_wait3A_324 = tpu.memref_slice %arg3[%add3A_317, %dma_wait3A_323] : memref<16384x1000xf32, #tpu.memory_space<hbm>> -> memref<32x1000xf32, #tpu.memory_space<hbm>>
    tpu.wait_dma2 semaphore(%dma_wait3A_322 : memref<!tpu.dma_semaphore, #tpu.memory_space<semaphore_mem>>) src(%arg6 : memref<32x1000xf32, #tpu.memory_space<vmem>>) dst(%dma_wait3A_324 : memref<32x1000xf32, #tpu.memory_space<hbm>>)
    %get3A_325 = arith.constant 224 : index
    %get3A_326 = tpu.vector_load %arg4[%get3A_325] {strides = array<i32>} : memref<512xi32, #tpu.memory_space<vmem>>, vector<16xi32>,
    %add3A_327 = arith.constant 0 : i32
    %add3A_328 = vector.broadcast %add3A_327 : i32 to vector<16xi32>
    %add3A_329 = arith.addi %iota3A, %add3A_328 : vector<16xi32>
    tpu.vector_store_idx %arg6[%add3A_329, %get3A_326], %broadcast_in_dim3A_3 : memref<32x1000xf32, #tpu.memory_space<vmem>>[vector<16xi32>, vector<16xi32>], vector<16xf32>,
    %get3A_330 = arith.constant 240 : index
    %get3A_331 = tpu.vector_load %arg4[%get3A_330] {strides = array<i32>} : memref<512xi32, #tpu.memory_space<vmem>>, vector<16xi32>,
    %add3A_332 = arith.constant 16 : i32
    %add3A_333 = vector.broadcast %add3A_332 : i32 to vector<16xi32>
    %add3A_334 = arith.addi %iota3A, %add3A_333 : vector<16xi32>
    tpu.vector_store_idx %arg6[%add3A_334, %get3A_331], %broadcast_in_dim3A_3 : memref<32x1000xf32, #tpu.memory_space<vmem>>[vector<16xi32>, vector<16xi32>], vector<16xf32>,
    %get3A_335 = arith.constant 288 : index
    %get3A_336 = tpu.vector_load %arg4[%get3A_335] {strides = array<i32>} : memref<512xi32, #tpu.memory_space<vmem>>, vector<16xi32>,
    %add3A_337 = arith.constant 0 : i32
    %add3A_338 = vector.broadcast %add3A_337 : i32 to vector<16xi32>
    %add3A_339 = arith.addi %iota3A, %add3A_338 : vector<16xi32>
    tpu.vector_store_idx %arg6[%add3A_339, %get3A_336], %broadcast_in_dim3A_5 : memref<32x1000xf32, #tpu.memory_space<vmem>>[vector<16xi32>, vector<16xi32>], vector<16xf32>,
    %get3A_340 = arith.constant 304 : index
    %get3A_341 = tpu.vector_load %arg4[%get3A_340] {strides = array<i32>} : memref<512xi32, #tpu.memory_space<vmem>>, vector<16xi32>,
    %add3A_342 = arith.constant 16 : i32
    %add3A_343 = vector.broadcast %add3A_342 : i32 to vector<16xi32>
    %add3A_344 = arith.addi %iota3A, %add3A_343 : vector<16xi32>
    tpu.vector_store_idx %arg6[%add3A_344, %get3A_341], %broadcast_in_dim3A_5 : memref<32x1000xf32, #tpu.memory_space<vmem>>[vector<16xi32>, vector<16xi32>], vector<16xf32>,
    %add3A_345 = arith.constant 288 : i32
    %add3A_346 = arith.addi %mul3A_2, %add3A_345 : i32
    %dma_start3A_347 = arith.constant 1 : i32
    %dma_start3A_348 = arith.constant 0 : i32
    %dma_start3A_349 = tpu.memref_slice %arg3[%add3A_346, %dma_start3A_348] : memref<16384x1000xf32, #tpu.memory_space<hbm>> -> memref<32x1000xf32, #tpu.memory_space<hbm>>
    %dma_start3A_350 = tpu.memref_slice %arg7[%dma_start3A_347] : memref<2x!tpu.dma_semaphore, #tpu.memory_space<semaphore_mem>> -> memref<1x!tpu.dma_semaphore, #tpu.memory_space<semaphore_mem>>
    %dma_start3A_351 = tpu.memref_squeeze %dma_start3A_350 : memref<1x!tpu.dma_semaphore, #tpu.memory_space<semaphore_mem>> -> memref<!tpu.dma_semaphore, #tpu.memory_space<semaphore_mem>>
    %dma_start3A_352 = arith.constant 0 : i32
    %dma_start3A_353 = tpu.memref_slice %arg3[%add3A_346, %dma_start3A_352] : memref<16384x1000xf32, #tpu.memory_space<hbm>> -> memref<32x1000xf32, #tpu.memory_space<hbm>>
    tpu.enqueue_dma source(%arg6 : memref<32x1000xf32, #tpu.memory_space<vmem>>) target(%dma_start3A_353 : memref<32x1000xf32, #tpu.memory_space<hbm>>) target_semaphore(%dma_start3A_351 : memref<!tpu.dma_semaphore, #tpu.memory_space<semaphore_mem>>)
    %add3A_354 = arith.constant 256 : i32
    %add3A_355 = arith.addi %mul3A_2, %add3A_354 : i32
    %dma_wait3A_356 = arith.constant 0 : i32
    %dma_wait3A_357 = arith.constant 0 : i32
    %dma_wait3A_358 = tpu.memref_slice %arg3[%add3A_355, %dma_wait3A_357] : memref<16384x1000xf32, #tpu.memory_space<hbm>> -> memref<32x1000xf32, #tpu.memory_space<hbm>>
    %dma_wait3A_359 = tpu.memref_slice %arg7[%dma_wait3A_356] : memref<2x!tpu.dma_semaphore, #tpu.memory_space<semaphore_mem>> -> memref<1x!tpu.dma_semaphore, #tpu.memory_space<semaphore_mem>>
    %dma_wait3A_360 = tpu.memref_squeeze %dma_wait3A_359 : memref<1x!tpu.dma_semaphore, #tpu.memory_space<semaphore_mem>> -> memref<!tpu.dma_semaphore, #tpu.memory_space<semaphore_mem>>
    %dma_wait3A_361 = arith.constant 0 : i32
    %dma_wait3A_362 = tpu.memref_slice %arg3[%add3A_355, %dma_wait3A_361] : memref<16384x1000xf32, #tpu.memory_space<hbm>> -> memref<32x1000xf32, #tpu.memory_space<hbm>>
    tpu.wait_dma2 semaphore(%dma_wait3A_360 : memref<!tpu.dma_semaphore, #tpu.memory_space<semaphore_mem>>) src(%arg5 : memref<32x1000xf32, #tpu.memory_space<vmem>>) dst(%dma_wait3A_362 : memref<32x1000xf32, #tpu.memory_space<hbm>>)
    %get3A_363 = arith.constant 256 : index
    %get3A_364 = tpu.vector_load %arg4[%get3A_363] {strides = array<i32>} : memref<512xi32, #tpu.memory_space<vmem>>, vector<16xi32>,
    %add3A_365 = arith.constant 0 : i32
    %add3A_366 = vector.broadcast %add3A_365 : i32 to vector<16xi32>
    %add3A_367 = arith.addi %iota3A, %add3A_366 : vector<16xi32>
    tpu.vector_store_idx %arg5[%add3A_367, %get3A_364], %broadcast_in_dim3A_3 : memref<32x1000xf32, #tpu.memory_space<vmem>>[vector<16xi32>, vector<16xi32>], vector<16xf32>,
    %get3A_368 = arith.constant 272 : index
    %get3A_369 = tpu.vector_load %arg4[%get3A_368] {strides = array<i32>} : memref<512xi32, #tpu.memory_space<vmem>>, vector<16xi32>,
    %add3A_370 = arith.constant 16 : i32
    %add3A_371 = vector.broadcast %add3A_370 : i32 to vector<16xi32>
    %add3A_372 = arith.addi %iota3A, %add3A_371 : vector<16xi32>
    tpu.vector_store_idx %arg5[%add3A_372, %get3A_369], %broadcast_in_dim3A_3 : memref<32x1000xf32, #tpu.memory_space<vmem>>[vector<16xi32>, vector<16xi32>], vector<16xf32>,
    %get3A_373 = arith.constant 320 : index
    %get3A_374 = tpu.vector_load %arg4[%get3A_373] {strides = array<i32>} : memref<512xi32, #tpu.memory_space<vmem>>, vector<16xi32>,
    %add3A_375 = arith.constant 0 : i32
    %add3A_376 = vector.broadcast %add3A_375 : i32 to vector<16xi32>
    %add3A_377 = arith.addi %iota3A, %add3A_376 : vector<16xi32>
    tpu.vector_store_idx %arg5[%add3A_377, %get3A_374], %broadcast_in_dim3A_5 : memref<32x1000xf32, #tpu.memory_space<vmem>>[vector<16xi32>, vector<16xi32>], vector<16xf32>,
    %get3A_378 = arith.constant 336 : index
    %get3A_379 = tpu.vector_load %arg4[%get3A_378] {strides = array<i32>} : memref<512xi32, #tpu.memory_space<vmem>>, vector<16xi32>,
    %add3A_380 = arith.constant 16 : i32
    %add3A_381 = vector.broadcast %add3A_380 : i32 to vector<16xi32>
    %add3A_382 = arith.addi %iota3A, %add3A_381 : vector<16xi32>
    tpu.vector_store_idx %arg5[%add3A_382, %get3A_379], %broadcast_in_dim3A_5 : memref<32x1000xf32, #tpu.memory_space<vmem>>[vector<16xi32>, vector<16xi32>], vector<16xf32>,
    %add3A_383 = arith.constant 320 : i32
    %add3A_384 = arith.addi %mul3A_2, %add3A_383 : i32
    %dma_start3A_385 = arith.constant 0 : i32
    %dma_start3A_386 = arith.constant 0 : i32
    %dma_start3A_387 = tpu.memref_slice %arg3[%add3A_384, %dma_start3A_386] : memref<16384x1000xf32, #tpu.memory_space<hbm>> -> memref<32x1000xf32, #tpu.memory_space<hbm>>
    %dma_start3A_388 = tpu.memref_slice %arg7[%dma_start3A_385] : memref<2x!tpu.dma_semaphore, #tpu.memory_space<semaphore_mem>> -> memref<1x!tpu.dma_semaphore, #tpu.memory_space<semaphore_mem>>
    %dma_start3A_389 = tpu.memref_squeeze %dma_start3A_388 : memref<1x!tpu.dma_semaphore, #tpu.memory_space<semaphore_mem>> -> memref<!tpu.dma_semaphore, #tpu.memory_space<semaphore_mem>>
    %dma_start3A_390 = arith.constant 0 : i32
    %dma_start3A_391 = tpu.memref_slice %arg3[%add3A_384, %dma_start3A_390] : memref<16384x1000xf32, #tpu.memory_space<hbm>> -> memref<32x1000xf32, #tpu.memory_space<hbm>>
    tpu.enqueue_dma source(%arg5 : memref<32x1000xf32, #tpu.memory_space<vmem>>) target(%dma_start3A_391 : memref<32x1000xf32, #tpu.memory_space<hbm>>) target_semaphore(%dma_start3A_389 : memref<!tpu.dma_semaphore, #tpu.memory_space<semaphore_mem>>)
    %add3A_392 = arith.constant 288 : i32
    %add3A_393 = arith.addi %mul3A_2, %add3A_392 : i32
    %dma_wait3A_394 = arith.constant 1 : i32
    %dma_wait3A_395 = arith.constant 0 : i32
    %dma_wait3A_396 = tpu.memref_slice %arg3[%add3A_393, %dma_wait3A_395] : memref<16384x1000xf32, #tpu.memory_space<hbm>> -> memref<32x1000xf32, #tpu.memory_space<hbm>>
    %dma_wait3A_397 = tpu.memref_slice %arg7[%dma_wait3A_394] : memref<2x!tpu.dma_semaphore, #tpu.memory_space<semaphore_mem>> -> memref<1x!tpu.dma_semaphore, #tpu.memory_space<semaphore_mem>>
    %dma_wait3A_398 = tpu.memref_squeeze %dma_wait3A_397 : memref<1x!tpu.dma_semaphore, #tpu.memory_space<semaphore_mem>> -> memref<!tpu.dma_semaphore, #tpu.memory_space<semaphore_mem>>
    %dma_wait3A_399 = arith.constant 0 : i32
    %dma_wait3A_400 = tpu.memref_slice %arg3[%add3A_393, %dma_wait3A_399] : memref<16384x1000xf32, #tpu.memory_space<hbm>> -> memref<32x1000xf32, #tpu.memory_space<hbm>>
    tpu.wait_dma2 semaphore(%dma_wait3A_398 : memref<!tpu.dma_semaphore, #tpu.memory_space<semaphore_mem>>) src(%arg6 : memref<32x1000xf32, #tpu.memory_space<vmem>>) dst(%dma_wait3A_400 : memref<32x1000xf32, #tpu.memory_space<hbm>>)
    %get3A_401 = arith.constant 288 : index
    %get3A_402 = tpu.vector_load %arg4[%get3A_401] {strides = array<i32>} : memref<512xi32, #tpu.memory_space<vmem>>, vector<16xi32>,
    %add3A_403 = arith.constant 0 : i32
    %add3A_404 = vector.broadcast %add3A_403 : i32 to vector<16xi32>
    %add3A_405 = arith.addi %iota3A, %add3A_404 : vector<16xi32>
    tpu.vector_store_idx %arg6[%add3A_405, %get3A_402], %broadcast_in_dim3A_3 : memref<32x1000xf32, #tpu.memory_space<vmem>>[vector<16xi32>, vector<16xi32>], vector<16xf32>,
    %get3A_406 = arith.constant 304 : index
    %get3A_407 = tpu.vector_load %arg4[%get3A_406] {strides = array<i32>} : memref<512xi32, #tpu.memory_space<vmem>>, vector<16xi32>,
    %add3A_408 = arith.constant 16 : i32
    %add3A_409 = vector.broadcast %add3A_408 : i32 to vector<16xi32>
    %add3A_410 = arith.addi %iota3A, %add3A_409 : vector<16xi32>
    tpu.vector_store_idx %arg6[%add3A_410, %get3A_407], %broadcast_in_dim3A_3 : memref<32x1000xf32, #tpu.memory_space<vmem>>[vector<16xi32>, vector<16xi32>], vector<16xf32>,
    %get3A_411 = arith.constant 352 : index
    %get3A_412 = tpu.vector_load %arg4[%get3A_411] {strides = array<i32>} : memref<512xi32, #tpu.memory_space<vmem>>, vector<16xi32>,
    %add3A_413 = arith.constant 0 : i32
    %add3A_414 = vector.broadcast %add3A_413 : i32 to vector<16xi32>
    %add3A_415 = arith.addi %iota3A, %add3A_414 : vector<16xi32>
    tpu.vector_store_idx %arg6[%add3A_415, %get3A_412], %broadcast_in_dim3A_5 : memref<32x1000xf32, #tpu.memory_space<vmem>>[vector<16xi32>, vector<16xi32>], vector<16xf32>,
    %get3A_416 = arith.constant 368 : index
    %get3A_417 = tpu.vector_load %arg4[%get3A_416] {strides = array<i32>} : memref<512xi32, #tpu.memory_space<vmem>>, vector<16xi32>,
    %add3A_418 = arith.constant 16 : i32
    %add3A_419 = vector.broadcast %add3A_418 : i32 to vector<16xi32>
    %add3A_420 = arith.addi %iota3A, %add3A_419 : vector<16xi32>
    tpu.vector_store_idx %arg6[%add3A_420, %get3A_417], %broadcast_in_dim3A_5 : memref<32x1000xf32, #tpu.memory_space<vmem>>[vector<16xi32>, vector<16xi32>], vector<16xf32>,
    %add3A_421 = arith.constant 352 : i32
    %add3A_422 = arith.addi %mul3A_2, %add3A_421 : i32
    %dma_start3A_423 = arith.constant 1 : i32
    %dma_start3A_424 = arith.constant 0 : i32
    %dma_start3A_425 = tpu.memref_slice %arg3[%add3A_422, %dma_start3A_424] : memref<16384x1000xf32, #tpu.memory_space<hbm>> -> memref<32x1000xf32, #tpu.memory_space<hbm>>
    %dma_start3A_426 = tpu.memref_slice %arg7[%dma_start3A_423] : memref<2x!tpu.dma_semaphore, #tpu.memory_space<semaphore_mem>> -> memref<1x!tpu.dma_semaphore, #tpu.memory_space<semaphore_mem>>
    %dma_start3A_427 = tpu.memref_squeeze %dma_start3A_426 : memref<1x!tpu.dma_semaphore, #tpu.memory_space<semaphore_mem>> -> memref<!tpu.dma_semaphore, #tpu.memory_space<semaphore_mem>>
    %dma_start3A_428 = arith.constant 0 : i32
    %dma_start3A_429 = tpu.memref_slice %arg3[%add3A_422, %dma_start3A_428] : memref<16384x1000xf32, #tpu.memory_space<hbm>> -> memref<32x1000xf32, #tpu.memory_space<hbm>>
    tpu.enqueue_dma source(%arg6 : memref<32x1000xf32, #tpu.memory_space<vmem>>) target(%dma_start3A_429 : memref<32x1000xf32, #tpu.memory_space<hbm>>) target_semaphore(%dma_start3A_427 : memref<!tpu.dma_semaphore, #tpu.memory_space<semaphore_mem>>)
    %add3A_430 = arith.constant 320 : i32
    %add3A_431 = arith.addi %mul3A_2, %add3A_430 : i32
    %dma_wait3A_432 = arith.constant 0 : i32
    %dma_wait3A_433 = arith.constant 0 : i32
    %dma_wait3A_434 = tpu.memref_slice %arg3[%add3A_431, %dma_wait3A_433] : memref<16384x1000xf32, #tpu.memory_space<hbm>> -> memref<32x1000xf32, #tpu.memory_space<hbm>>
    %dma_wait3A_435 = tpu.memref_slice %arg7[%dma_wait3A_432] : memref<2x!tpu.dma_semaphore, #tpu.memory_space<semaphore_mem>> -> memref<1x!tpu.dma_semaphore, #tpu.memory_space<semaphore_mem>>
    %dma_wait3A_436 = tpu.memref_squeeze %dma_wait3A_435 : memref<1x!tpu.dma_semaphore, #tpu.memory_space<semaphore_mem>> -> memref<!tpu.dma_semaphore, #tpu.memory_space<semaphore_mem>>
    %dma_wait3A_437 = arith.constant 0 : i32
    %dma_wait3A_438 = tpu.memref_slice %arg3[%add3A_431, %dma_wait3A_437] : memref<16384x1000xf32, #tpu.memory_space<hbm>> -> memref<32x1000xf32, #tpu.memory_space<hbm>>
    tpu.wait_dma2 semaphore(%dma_wait3A_436 : memref<!tpu.dma_semaphore, #tpu.memory_space<semaphore_mem>>) src(%arg5 : memref<32x1000xf32, #tpu.memory_space<vmem>>) dst(%dma_wait3A_438 : memref<32x1000xf32, #tpu.memory_space<hbm>>)
    %get3A_439 = arith.constant 320 : index
    %get3A_440 = tpu.vector_load %arg4[%get3A_439] {strides = array<i32>} : memref<512xi32, #tpu.memory_space<vmem>>, vector<16xi32>,
    %add3A_441 = arith.constant 0 : i32
    %add3A_442 = vector.broadcast %add3A_441 : i32 to vector<16xi32>
    %add3A_443 = arith.addi %iota3A, %add3A_442 : vector<16xi32>
    tpu.vector_store_idx %arg5[%add3A_443, %get3A_440], %broadcast_in_dim3A_3 : memref<32x1000xf32, #tpu.memory_space<vmem>>[vector<16xi32>, vector<16xi32>], vector<16xf32>,
    %get3A_444 = arith.constant 336 : index
    %get3A_445 = tpu.vector_load %arg4[%get3A_444] {strides = array<i32>} : memref<512xi32, #tpu.memory_space<vmem>>, vector<16xi32>,
    %add3A_446 = arith.constant 16 : i32
    %add3A_447 = vector.broadcast %add3A_446 : i32 to vector<16xi32>
    %add3A_448 = arith.addi %iota3A, %add3A_447 : vector<16xi32>
    tpu.vector_store_idx %arg5[%add3A_448, %get3A_445], %broadcast_in_dim3A_3 : memref<32x1000xf32, #tpu.memory_space<vmem>>[vector<16xi32>, vector<16xi32>], vector<16xf32>,
    %get3A_449 = arith.constant 384 : index
    %get3A_450 = tpu.vector_load %arg4[%get3A_449] {strides = array<i32>} : memref<512xi32, #tpu.memory_space<vmem>>, vector<16xi32>,
    %add3A_451 = arith.constant 0 : i32
    %add3A_452 = vector.broadcast %add3A_451 : i32 to vector<16xi32>
    %add3A_453 = arith.addi %iota3A, %add3A_452 : vector<16xi32>
    tpu.vector_store_idx %arg5[%add3A_453, %get3A_450], %broadcast_in_dim3A_5 : memref<32x1000xf32, #tpu.memory_space<vmem>>[vector<16xi32>, vector<16xi32>], vector<16xf32>,
    %get3A_454 = arith.constant 400 : index
    %get3A_455 = tpu.vector_load %arg4[%get3A_454] {strides = array<i32>} : memref<512xi32, #tpu.memory_space<vmem>>, vector<16xi32>,
    %add3A_456 = arith.constant 16 : i32
    %add3A_457 = vector.broadcast %add3A_456 : i32 to vector<16xi32>
    %add3A_458 = arith.addi %iota3A, %add3A_457 : vector<16xi32>
    tpu.vector_store_idx %arg5[%add3A_458, %get3A_455], %broadcast_in_dim3A_5 : memref<32x1000xf32, #tpu.memory_space<vmem>>[vector<16xi32>, vector<16xi32>], vector<16xf32>,
    %add3A_459 = arith.constant 384 : i32
    %add3A_460 = arith.addi %mul3A_2, %add3A_459 : i32
    %dma_start3A_461 = arith.constant 0 : i32
    %dma_start3A_462 = arith.constant 0 : i32
    %dma_start3A_463 = tpu.memref_slice %arg3[%add3A_460, %dma_start3A_462] : memref<16384x1000xf32, #tpu.memory_space<hbm>> -> memref<32x1000xf32, #tpu.memory_space<hbm>>
    %dma_start3A_464 = tpu.memref_slice %arg7[%dma_start3A_461] : memref<2x!tpu.dma_semaphore, #tpu.memory_space<semaphore_mem>> -> memref<1x!tpu.dma_semaphore, #tpu.memory_space<semaphore_mem>>
    %dma_start3A_465 = tpu.memref_squeeze %dma_start3A_464 : memref<1x!tpu.dma_semaphore, #tpu.memory_space<semaphore_mem>> -> memref<!tpu.dma_semaphore, #tpu.memory_space<semaphore_mem>>
    %dma_start3A_466 = arith.constant 0 : i32
    %dma_start3A_467 = tpu.memref_slice %arg3[%add3A_460, %dma_start3A_466] : memref<16384x1000xf32, #tpu.memory_space<hbm>> -> memref<32x1000xf32, #tpu.memory_space<hbm>>
    tpu.enqueue_dma source(%arg5 : memref<32x1000xf32, #tpu.memory_space<vmem>>) target(%dma_start3A_467 : memref<32x1000xf32, #tpu.memory_space<hbm>>) target_semaphore(%dma_start3A_465 : memref<!tpu.dma_semaphore, #tpu.memory_space<semaphore_mem>>)
    %add3A_468 = arith.constant 352 : i32
    %add3A_469 = arith.addi %mul3A_2, %add3A_468 : i32
    %dma_wait3A_470 = arith.constant 1 : i32
    %dma_wait3A_471 = arith.constant 0 : i32
    %dma_wait3A_472 = tpu.memref_slice %arg3[%add3A_469, %dma_wait3A_471] : memref<16384x1000xf32, #tpu.memory_space<hbm>> -> memref<32x1000xf32, #tpu.memory_space<hbm>>
    %dma_wait3A_473 = tpu.memref_slice %arg7[%dma_wait3A_470] : memref<2x!tpu.dma_semaphore, #tpu.memory_space<semaphore_mem>> -> memref<1x!tpu.dma_semaphore, #tpu.memory_space<semaphore_mem>>
    %dma_wait3A_474 = tpu.memref_squeeze %dma_wait3A_473 : memref<1x!tpu.dma_semaphore, #tpu.memory_space<semaphore_mem>> -> memref<!tpu.dma_semaphore, #tpu.memory_space<semaphore_mem>>
    %dma_wait3A_475 = arith.constant 0 : i32
    %dma_wait3A_476 = tpu.memref_slice %arg3[%add3A_469, %dma_wait3A_475] : memref<16384x1000xf32, #tpu.memory_space<hbm>> -> memref<32x1000xf32, #tpu.memory_space<hbm>>
    tpu.wait_dma2 semaphore(%dma_wait3A_474 : memref<!tpu.dma_semaphore, #tpu.memory_space<semaphore_mem>>) src(%arg6 : memref<32x1000xf32, #tpu.memory_space<vmem>>) dst(%dma_wait3A_476 : memref<32x1000xf32, #tpu.memory_space<hbm>>)
    %get3A_477 = arith.constant 352 : index
    %get3A_478 = tpu.vector_load %arg4[%get3A_477] {strides = array<i32>} : memref<512xi32, #tpu.memory_space<vmem>>, vector<16xi32>,
    %add3A_479 = arith.constant 0 : i32
    %add3A_480 = vector.broadcast %add3A_479 : i32 to vector<16xi32>
    %add3A_481 = arith.addi %iota3A, %add3A_480 : vector<16xi32>
    tpu.vector_store_idx %arg6[%add3A_481, %get3A_478], %broadcast_in_dim3A_3 : memref<32x1000xf32, #tpu.memory_space<vmem>>[vector<16xi32>, vector<16xi32>], vector<16xf32>,
    %get3A_482 = arith.constant 368 : index
    %get3A_483 = tpu.vector_load %arg4[%get3A_482] {strides = array<i32>} : memref<512xi32, #tpu.memory_space<vmem>>, vector<16xi32>,
    %add3A_484 = arith.constant 16 : i32
    %add3A_485 = vector.broadcast %add3A_484 : i32 to vector<16xi32>
    %add3A_486 = arith.addi %iota3A, %add3A_485 : vector<16xi32>
    tpu.vector_store_idx %arg6[%add3A_486, %get3A_483], %broadcast_in_dim3A_3 : memref<32x1000xf32, #tpu.memory_space<vmem>>[vector<16xi32>, vector<16xi32>], vector<16xf32>,
    %get3A_487 = arith.constant 416 : index
    %get3A_488 = tpu.vector_load %arg4[%get3A_487] {strides = array<i32>} : memref<512xi32, #tpu.memory_space<vmem>>, vector<16xi32>,
    %add3A_489 = arith.constant 0 : i32
    %add3A_490 = vector.broadcast %add3A_489 : i32 to vector<16xi32>
    %add3A_491 = arith.addi %iota3A, %add3A_490 : vector<16xi32>
    tpu.vector_store_idx %arg6[%add3A_491, %get3A_488], %broadcast_in_dim3A_5 : memref<32x1000xf32, #tpu.memory_space<vmem>>[vector<16xi32>, vector<16xi32>], vector<16xf32>,
    %get3A_492 = arith.constant 432 : index
    %get3A_493 = tpu.vector_load %arg4[%get3A_492] {strides = array<i32>} : memref<512xi32, #tpu.memory_space<vmem>>, vector<16xi32>,
    %add3A_494 = arith.constant 16 : i32
    %add3A_495 = vector.broadcast %add3A_494 : i32 to vector<16xi32>
    %add3A_496 = arith.addi %iota3A, %add3A_495 : vector<16xi32>
    tpu.vector_store_idx %arg6[%add3A_496, %get3A_493], %broadcast_in_dim3A_5 : memref<32x1000xf32, #tpu.memory_space<vmem>>[vector<16xi32>, vector<16xi32>], vector<16xf32>,
    %add3A_497 = arith.constant 416 : i32
    %add3A_498 = arith.addi %mul3A_2, %add3A_497 : i32
    %dma_start3A_499 = arith.constant 1 : i32
    %dma_start3A_500 = arith.constant 0 : i32
    %dma_start3A_501 = tpu.memref_slice %arg3[%add3A_498, %dma_start3A_500] : memref<16384x1000xf32, #tpu.memory_space<hbm>> -> memref<32x1000xf32, #tpu.memory_space<hbm>>
    %dma_start3A_502 = tpu.memref_slice %arg7[%dma_start3A_499] : memref<2x!tpu.dma_semaphore, #tpu.memory_space<semaphore_mem>> -> memref<1x!tpu.dma_semaphore, #tpu.memory_space<semaphore_mem>>
    %dma_start3A_503 = tpu.memref_squeeze %dma_start3A_502 : memref<1x!tpu.dma_semaphore, #tpu.memory_space<semaphore_mem>> -> memref<!tpu.dma_semaphore, #tpu.memory_space<semaphore_mem>>
    %dma_start3A_504 = arith.constant 0 : i32
    %dma_start3A_505 = tpu.memref_slice %arg3[%add3A_498, %dma_start3A_504] : memref<16384x1000xf32, #tpu.memory_space<hbm>> -> memref<32x1000xf32, #tpu.memory_space<hbm>>
    tpu.enqueue_dma source(%arg6 : memref<32x1000xf32, #tpu.memory_space<vmem>>) target(%dma_start3A_505 : memref<32x1000xf32, #tpu.memory_space<hbm>>) target_semaphore(%dma_start3A_503 : memref<!tpu.dma_semaphore, #tpu.memory_space<semaphore_mem>>)
    %add3A_506 = arith.constant 384 : i32
    %add3A_507 = arith.addi %mul3A_2, %add3A_506 : i32
    %dma_wait3A_508 = arith.constant 0 : i32
    %dma_wait3A_509 = arith.constant 0 : i32
    %dma_wait3A_510 = tpu.memref_slice %arg3[%add3A_507, %dma_wait3A_509] : memref<16384x1000xf32, #tpu.memory_space<hbm>> -> memref<32x1000xf32, #tpu.memory_space<hbm>>
    %dma_wait3A_511 = tpu.memref_slice %arg7[%dma_wait3A_508] : memref<2x!tpu.dma_semaphore, #tpu.memory_space<semaphore_mem>> -> memref<1x!tpu.dma_semaphore, #tpu.memory_space<semaphore_mem>>
    %dma_wait3A_512 = tpu.memref_squeeze %dma_wait3A_511 : memref<1x!tpu.dma_semaphore, #tpu.memory_space<semaphore_mem>> -> memref<!tpu.dma_semaphore, #tpu.memory_space<semaphore_mem>>
    %dma_wait3A_513 = arith.constant 0 : i32
    %dma_wait3A_514 = tpu.memref_slice %arg3[%add3A_507, %dma_wait3A_513] : memref<16384x1000xf32, #tpu.memory_space<hbm>> -> memref<32x1000xf32, #tpu.memory_space<hbm>>
    tpu.wait_dma2 semaphore(%dma_wait3A_512 : memref<!tpu.dma_semaphore, #tpu.memory_space<semaphore_mem>>) src(%arg5 : memref<32x1000xf32, #tpu.memory_space<vmem>>) dst(%dma_wait3A_514 : memref<32x1000xf32, #tpu.memory_space<hbm>>)
    %get3A_515 = arith.constant 384 : index
    %get3A_516 = tpu.vector_load %arg4[%get3A_515] {strides = array<i32>} : memref<512xi32, #tpu.memory_space<vmem>>, vector<16xi32>,
    %add3A_517 = arith.constant 0 : i32
    %add3A_518 = vector.broadcast %add3A_517 : i32 to vector<16xi32>
    %add3A_519 = arith.addi %iota3A, %add3A_518 : vector<16xi32>
    tpu.vector_store_idx %arg5[%add3A_519, %get3A_516], %broadcast_in_dim3A_3 : memref<32x1000xf32, #tpu.memory_space<vmem>>[vector<16xi32>, vector<16xi32>], vector<16xf32>,
    %get3A_520 = arith.constant 400 : index
    %get3A_521 = tpu.vector_load %arg4[%get3A_520] {strides = array<i32>} : memref<512xi32, #tpu.memory_space<vmem>>, vector<16xi32>,
    %add3A_522 = arith.constant 16 : i32
    %add3A_523 = vector.broadcast %add3A_522 : i32 to vector<16xi32>
    %add3A_524 = arith.addi %iota3A, %add3A_523 : vector<16xi32>
    tpu.vector_store_idx %arg5[%add3A_524, %get3A_521], %broadcast_in_dim3A_3 : memref<32x1000xf32, #tpu.memory_space<vmem>>[vector<16xi32>, vector<16xi32>], vector<16xf32>,
    %get3A_525 = arith.constant 448 : index
    %get3A_526 = tpu.vector_load %arg4[%get3A_525] {strides = array<i32>} : memref<512xi32, #tpu.memory_space<vmem>>, vector<16xi32>,
    %add3A_527 = arith.constant 0 : i32
    %add3A_528 = vector.broadcast %add3A_527 : i32 to vector<16xi32>
    %add3A_529 = arith.addi %iota3A, %add3A_528 : vector<16xi32>
    tpu.vector_store_idx %arg5[%add3A_529, %get3A_526], %broadcast_in_dim3A_5 : memref<32x1000xf32, #tpu.memory_space<vmem>>[vector<16xi32>, vector<16xi32>], vector<16xf32>,
    %get3A_530 = arith.constant 464 : index
    %get3A_531 = tpu.vector_load %arg4[%get3A_530] {strides = array<i32>} : memref<512xi32, #tpu.memory_space<vmem>>, vector<16xi32>,
    %add3A_532 = arith.constant 16 : i32
    %add3A_533 = vector.broadcast %add3A_532 : i32 to vector<16xi32>
    %add3A_534 = arith.addi %iota3A, %add3A_533 : vector<16xi32>
    tpu.vector_store_idx %arg5[%add3A_534, %get3A_531], %broadcast_in_dim3A_5 : memref<32x1000xf32, #tpu.memory_space<vmem>>[vector<16xi32>, vector<16xi32>], vector<16xf32>,
    %add3A_535 = arith.constant 448 : i32
    %add3A_536 = arith.addi %mul3A_2, %add3A_535 : i32
    %dma_start3A_537 = arith.constant 0 : i32
    %dma_start3A_538 = arith.constant 0 : i32
    %dma_start3A_539 = tpu.memref_slice %arg3[%add3A_536, %dma_start3A_538] : memref<16384x1000xf32, #tpu.memory_space<hbm>> -> memref<32x1000xf32, #tpu.memory_space<hbm>>
    %dma_start3A_540 = tpu.memref_slice %arg7[%dma_start3A_537] : memref<2x!tpu.dma_semaphore, #tpu.memory_space<semaphore_mem>> -> memref<1x!tpu.dma_semaphore, #tpu.memory_space<semaphore_mem>>
    %dma_start3A_541 = tpu.memref_squeeze %dma_start3A_540 : memref<1x!tpu.dma_semaphore, #tpu.memory_space<semaphore_mem>> -> memref<!tpu.dma_semaphore, #tpu.memory_space<semaphore_mem>>
    %dma_start3A_542 = arith.constant 0 : i32
    %dma_start3A_543 = tpu.memref_slice %arg3[%add3A_536, %dma_start3A_542] : memref<16384x1000xf32, #tpu.memory_space<hbm>> -> memref<32x1000xf32, #tpu.memory_space<hbm>>
    tpu.enqueue_dma source(%arg5 : memref<32x1000xf32, #tpu.memory_space<vmem>>) target(%dma_start3A_543 : memref<32x1000xf32, #tpu.memory_space<hbm>>) target_semaphore(%dma_start3A_541 : memref<!tpu.dma_semaphore, #tpu.memory_space<semaphore_mem>>)
    %add3A_544 = arith.constant 416 : i32
    %add3A_545 = arith.addi %mul3A_2, %add3A_544 : i32
    %dma_wait3A_546 = arith.constant 1 : i32
    %dma_wait3A_547 = arith.constant 0 : i32
    %dma_wait3A_548 = tpu.memref_slice %arg3[%add3A_545, %dma_wait3A_547] : memref<16384x1000xf32, #tpu.memory_space<hbm>> -> memref<32x1000xf32, #tpu.memory_space<hbm>>
    %dma_wait3A_549 = tpu.memref_slice %arg7[%dma_wait3A_546] : memref<2x!tpu.dma_semaphore, #tpu.memory_space<semaphore_mem>> -> memref<1x!tpu.dma_semaphore, #tpu.memory_space<semaphore_mem>>
    %dma_wait3A_550 = tpu.memref_squeeze %dma_wait3A_549 : memref<1x!tpu.dma_semaphore, #tpu.memory_space<semaphore_mem>> -> memref<!tpu.dma_semaphore, #tpu.memory_space<semaphore_mem>>
    %dma_wait3A_551 = arith.constant 0 : i32
    %dma_wait3A_552 = tpu.memref_slice %arg3[%add3A_545, %dma_wait3A_551] : memref<16384x1000xf32, #tpu.memory_space<hbm>> -> memref<32x1000xf32, #tpu.memory_space<hbm>>
    tpu.wait_dma2 semaphore(%dma_wait3A_550 : memref<!tpu.dma_semaphore, #tpu.memory_space<semaphore_mem>>) src(%arg6 : memref<32x1000xf32, #tpu.memory_space<vmem>>) dst(%dma_wait3A_552 : memref<32x1000xf32, #tpu.memory_space<hbm>>)
    %get3A_553 = arith.constant 416 : index
    %get3A_554 = tpu.vector_load %arg4[%get3A_553] {strides = array<i32>} : memref<512xi32, #tpu.memory_space<vmem>>, vector<16xi32>,
    %add3A_555 = arith.constant 0 : i32
    %add3A_556 = vector.broadcast %add3A_555 : i32 to vector<16xi32>
    %add3A_557 = arith.addi %iota3A, %add3A_556 : vector<16xi32>
    tpu.vector_store_idx %arg6[%add3A_557, %get3A_554], %broadcast_in_dim3A_3 : memref<32x1000xf32, #tpu.memory_space<vmem>>[vector<16xi32>, vector<16xi32>], vector<16xf32>,
    %get3A_558 = arith.constant 432 : index
    %get3A_559 = tpu.vector_load %arg4[%get3A_558] {strides = array<i32>} : memref<512xi32, #tpu.memory_space<vmem>>, vector<16xi32>,
    %add3A_560 = arith.constant 16 : i32
    %add3A_561 = vector.broadcast %add3A_560 : i32 to vector<16xi32>
    %add3A_562 = arith.addi %iota3A, %add3A_561 : vector<16xi32>
    tpu.vector_store_idx %arg6[%add3A_562, %get3A_559], %broadcast_in_dim3A_3 : memref<32x1000xf32, #tpu.memory_space<vmem>>[vector<16xi32>, vector<16xi32>], vector<16xf32>,
    %get3A_563 = arith.constant 480 : index
    %get3A_564 = tpu.vector_load %arg4[%get3A_563] {strides = array<i32>} : memref<512xi32, #tpu.memory_space<vmem>>, vector<16xi32>,
    %add3A_565 = arith.constant 0 : i32
    %add3A_566 = vector.broadcast %add3A_565 : i32 to vector<16xi32>
    %add3A_567 = arith.addi %iota3A, %add3A_566 : vector<16xi32>
    tpu.vector_store_idx %arg6[%add3A_567, %get3A_564], %broadcast_in_dim3A_5 : memref<32x1000xf32, #tpu.memory_space<vmem>>[vector<16xi32>, vector<16xi32>], vector<16xf32>,
    %get3A_568 = arith.constant 496 : index
    %get3A_569 = tpu.vector_load %arg4[%get3A_568] {strides = array<i32>} : memref<512xi32, #tpu.memory_space<vmem>>, vector<16xi32>,
    %add3A_570 = arith.constant 16 : i32
    %add3A_571 = vector.broadcast %add3A_570 : i32 to vector<16xi32>
    %add3A_572 = arith.addi %iota3A, %add3A_571 : vector<16xi32>
    tpu.vector_store_idx %arg6[%add3A_572, %get3A_569], %broadcast_in_dim3A_5 : memref<32x1000xf32, #tpu.memory_space<vmem>>[vector<16xi32>, vector<16xi32>], vector<16xf32>,
    %add3A_573 = arith.constant 480 : i32
    %add3A_574 = arith.addi %mul3A_2, %add3A_573 : i32
    %dma_start3A_575 = arith.constant 1 : i32
    %dma_start3A_576 = arith.constant 0 : i32
    %dma_start3A_577 = tpu.memref_slice %arg3[%add3A_574, %dma_start3A_576] : memref<16384x1000xf32, #tpu.memory_space<hbm>> -> memref<32x1000xf32, #tpu.memory_space<hbm>>
    %dma_start3A_578 = tpu.memref_slice %arg7[%dma_start3A_575] : memref<2x!tpu.dma_semaphore, #tpu.memory_space<semaphore_mem>> -> memref<1x!tpu.dma_semaphore, #tpu.memory_space<semaphore_mem>>
    %dma_start3A_579 = tpu.memref_squeeze %dma_start3A_578 : memref<1x!tpu.dma_semaphore, #tpu.memory_space<semaphore_mem>> -> memref<!tpu.dma_semaphore, #tpu.memory_space<semaphore_mem>>
    %dma_start3A_580 = arith.constant 0 : i32
    %dma_start3A_581 = tpu.memref_slice %arg3[%add3A_574, %dma_start3A_580] : memref<16384x1000xf32, #tpu.memory_space<hbm>> -> memref<32x1000xf32, #tpu.memory_space<hbm>>
    tpu.enqueue_dma source(%arg6 : memref<32x1000xf32, #tpu.memory_space<vmem>>) target(%dma_start3A_581 : memref<32x1000xf32, #tpu.memory_space<hbm>>) target_semaphore(%dma_start3A_579 : memref<!tpu.dma_semaphore, #tpu.memory_space<semaphore_mem>>)
    %add3A_582 = arith.constant 448 : i32
    %add3A_583 = arith.addi %mul3A_2, %add3A_582 : i32
    %dma_wait3A_584 = arith.constant 0 : i32
    %dma_wait3A_585 = arith.constant 0 : i32
    %dma_wait3A_586 = tpu.memref_slice %arg3[%add3A_583, %dma_wait3A_585] : memref<16384x1000xf32, #tpu.memory_space<hbm>> -> memref<32x1000xf32, #tpu.memory_space<hbm>>
    %dma_wait3A_587 = tpu.memref_slice %arg7[%dma_wait3A_584] : memref<2x!tpu.dma_semaphore, #tpu.memory_space<semaphore_mem>> -> memref<1x!tpu.dma_semaphore, #tpu.memory_space<semaphore_mem>>
    %dma_wait3A_588 = tpu.memref_squeeze %dma_wait3A_587 : memref<1x!tpu.dma_semaphore, #tpu.memory_space<semaphore_mem>> -> memref<!tpu.dma_semaphore, #tpu.memory_space<semaphore_mem>>
    %dma_wait3A_589 = arith.constant 0 : i32
    %dma_wait3A_590 = tpu.memref_slice %arg3[%add3A_583, %dma_wait3A_589] : memref<16384x1000xf32, #tpu.memory_space<hbm>> -> memref<32x1000xf32, #tpu.memory_space<hbm>>
    tpu.wait_dma2 semaphore(%dma_wait3A_588 : memref<!tpu.dma_semaphore, #tpu.memory_space<semaphore_mem>>) src(%arg5 : memref<32x1000xf32, #tpu.memory_space<vmem>>) dst(%dma_wait3A_590 : memref<32x1000xf32, #tpu.memory_space<hbm>>)
    %add3A_591 = arith.constant 480 : i32
    %add3A_592 = arith.addi %mul3A_2, %add3A_591 : i32
    %dma_wait3A_593 = arith.constant 1 : i32
    %dma_wait3A_594 = arith.constant 0 : i32
    %dma_wait3A_595 = tpu.memref_slice %arg3[%add3A_592, %dma_wait3A_594] : memref<16384x1000xf32, #tpu.memory_space<hbm>> -> memref<32x1000xf32, #tpu.memory_space<hbm>>
    %dma_wait3A_596 = tpu.memref_slice %arg7[%dma_wait3A_593] : memref<2x!tpu.dma_semaphore, #tpu.memory_space<semaphore_mem>> -> memref<1x!tpu.dma_semaphore, #tpu.memory_space<semaphore_mem>>
    %dma_wait3A_597 = tpu.memref_squeeze %dma_wait3A_596 : memref<1x!tpu.dma_semaphore, #tpu.memory_space<semaphore_mem>> -> memref<!tpu.dma_semaphore, #tpu.memory_space<semaphore_mem>>
    %dma_wait3A_598 = arith.constant 0 : i32
    %dma_wait3A_599 = tpu.memref_slice %arg3[%add3A_592, %dma_wait3A_598] : memref<16384x1000xf32, #tpu.memory_space<hbm>> -> memref<32x1000xf32, #tpu.memory_space<hbm>>
    tpu.wait_dma2 semaphore(%dma_wait3A_597 : memref<!tpu.dma_semaphore, #tpu.memory_space<semaphore_mem>>) src(%arg6 : memref<32x1000xf32, #tpu.memory_space<vmem>>) dst(%dma_wait3A_599 : memref<32x1000xf32, #tpu.memory_space<hbm>>)
    return
  }
}

</mosaic_0001>

<sc_bundles>
// kernel: kernel.3.cloned.1.call-start
scs
__scs_entry_jumppad:
0x0: {  	(pc) =	sbr.rel $0x88, $3  }
0x1: {  	(tag) =	ssettag $0x0;
	lr =	simm.s32 $0x1  }
0x2: {  	[smem:$0x3FA0] =	sst lr;
	_ =	strace $0xD0000000  }
0x3: {  	_ = 	snop  }
0x4: {  	_ = 	snop  }
0x5: {  	_ = 	snop  }
0x6: {  	_ = 	snop  }
0x7: {  	_ = 	snop  }
__scs_overlays_trampoline_lowered:
0x8: {  	[smem:$0x3FAF] =	sst s0  }
0x9: {  	[smem:$0x3FB0] =	sst s1  }
0xa: {  	[smem:$0x3FB1] =	sst s2  }
0xb: {  	[smem:$0x3FB2] =	sst s3  }
0xc: {  	[smem:$0x3FB3] =	sst s4  }
0xd: {  	[smem:$0x3FB4] =	sst s5  }
0xe: {  	[smem:$0x3FB5] =	sst s6  }
0xf: {  	[smem:$0x3FB6] =	sst s7  }
0x10: {  	[smem:$0x3FB7] =	sst s8  }
0x11: {  	[smem:$0x3FB8] =	sst s9;
	s0 =	simm.s32 @!p0 $0x0  }
0x12: {  	s1 =	sld [smem:$0x3F9E];
	s0 =	simm.s32 @p0 $0x1  }
0x13: {  	[smem:$0x3FB9] =	sst s0;
	s0 =	simm.s32 @!p1 $0x0  }
0x14: {  	s2 =	sld [smem:$0x3F9D];
	s0 =	simm.s32 @p1 $0x1  }
0x15: {  	[smem:$0x3FBA] =	sst s0;
	s0 =	simm.s32 @!p2 $0x0  }
0x16: {  	s3 =	sld [smem:$0x3FDB];
	s0 =	simm.s32 @p2 $0x1  }
0x17: {  	s4 =	simm.s32 $0x1BF5;
	[smem:$0x3FBC] =	sst s0  }
0x18: {  	s0 =	sld [smem:$0x3F9F];
	_ =	swait.ge [sflag:s4], $0x0  }
0x19: {  	s7 =	sld [smem:$0x3FA0]  }
0x1a: {  	s8 =	sadd.s32 $0xFFFFE003, lr  }
0x1b: {  	s9 =	sadd.s32 $0xFFFFFEF7, lr;
	s5 =	simm.s32 $0xFFFFFFFF;
	p2 =	slt.u32 s8, $0xFFFFF086  }
0x1c: {  	p1 =	slt.u32 s9, $0xF7A;
	s5 =	simm.s32 @!p2 $0x0  }
0x1d: {  	s5 =	simm.s32 @p1 $0x1;
	p0 =	seq.s32 s7, s2  }
0x1e: {  	s7 =	smul.u32 @!p0 $0xF7A, s2;
	p2 =	seq.s32 @!p0 s5, $0x0  }
0x1f: {  	s9 =	smul.u32 $0xF7A, s1;
	s8 =	simm.s32 @!p0 $0x1BF5;
	p2 =	por !p2, p0  }
0x20: {  	[sflag:s8] =	ssyncset.s32 @!p0 $0xFFFFF086;
	s6 =	sadd.s32 @!p0 s3, s7;
	s7 =	simm.s32 @!p0 $0x108  }
0x21: {  	s3 =	sadd.s32 s3, s9;
	s6 =	sadd.s32 @!p0 $0x88, s6;
	s7 =	simm.s32 @p2 $0x1082  }
0x22: {  	[simem:s7], [sflag:s8] =	dma.local @!p0 [hbm:s6], $0xF7A  }
0x23: {  	s9 =	sor.u32 $0xD0000000, s2;
	s6 =	simm.s32 $0x108;
	_ =	swait.ge @!p0 [sflag:s8], $0x0  }
0x24: {  	s3 =	sadd.s32 $0x88, s3;
	s6 =	simm.s32 @!p1 $0x1082;
	[sflag:s4] =	ssyncset.s32 $0xFFFFF086  }
0x25: {  	[simem:s6], [sflag:s4] =	dma.local [hbm:s3], $0xF7A  }
0x26: {  	[smem:$0x3FA0] =	sst s1;
	(tag) =	ssettag s2;
	_ =	strace s9  }
0x27: {  	s1 =	sld [smem:$0x3FB0]  }
0x28: {  	s2 =	sld [smem:$0x3FB1]  }
0x29: {  	s4 =	sld [smem:$0x3FB3]  }
0x2a: {  	p0 =	seq.s32 s5, $0x0;
	s5 =	sld [smem:$0x3FB4]  }
0x2b: {  	s6 =	sld [smem:$0x3FB5]  }
0x2c: {  	s7 =	sld [smem:$0x3FB6]  }
0x2d: {  	s3 =	simm.s32 $0x108;
	s8 =	sld [smem:$0x3FB7]  }
0x2e: {  	s3 =	simm.s32 @!p0 $0x1082;
	s9 =	sld [smem:$0x3FB8]  }
0x2f: {  	lr =	sadd.s32 s0, s3;
	s0 =	sld [smem:$0x3FAF]  }
0x30: {  	s3 =	sld [smem:$0x3FB2]  }
0x31: {  	[smem:$0x3FBB] =	sst s10  }
0x32: {  	s10 =	sld [smem:$0x3FB9];
	_ =	sdelay $0x3  }
0x33: {  	p0 =	seq.s32 s10, $0x1;
	s10 =	sld [smem:$0x3FBB];
	_ =	sdelay $0x3  }
0x34: {  	[smem:$0x3FBB] =	sst s10  }
0x35: {  	s10 =	sld [smem:$0x3FBA];
	_ =	sdelay $0x3  }
0x36: {  	p1 =	seq.s32 s10, $0x1;
	s10 =	sld [smem:$0x3FBB];
	_ =	sdelay $0x3  }
0x37: {  	[smem:$0x3FBB] =	sst s10  }
0x38: {  	s10 =	sld [smem:$0x3FBC]  }
0x39: {  	_ = 	snop;
	(pc) =	sbr.ind lr, $3  }
0x3a: {  	_ = 	snop  }
0x3b: {  	_ = 	snop  }
0x3c: {  	p2 =	seq.s32 s10, $0x1;
	s10 =	sld [smem:$0x3FBB]  }
0x3d: {  	_ =	shalt  }
0x3e: {  	_ =	shalt  }
0x3f: {  	_ =	shalt  }
0x40: {  	_ =	shalt  }
0x41: {  	_ =	shalt  }
0x42: {  	_ =	shalt  }
0x43: {  	_ =	shalt  }
0x44: {  	_ =	shalt  }
0x45: {  	_ =	shalt  }
0x46: {  	_ =	shalt  }
0x47: {  	_ =	shalt  }
0x48: {  	_ =	shalt  }
0x49: {  	_ =	shalt  }
0x4a: {  	_ =	shalt  }
0x4b: {  	_ =	shalt  }
0x4c: {  	_ =	shalt  }
0x4d: {  	_ =	shalt  }
0x4e: {  	_ =	shalt  }
0x4f: {  	_ =	shalt  }
0x50: {  	_ =	shalt  }
0x51: {  	_ =	shalt  }
0x52: {  	_ =	shalt  }
0x53: {  	_ =	shalt  }
0x54: {  	_ =	shalt  }
0x55: {  	_ =	shalt  }
0x56: {  	_ =	shalt  }
0x57: {  	_ =	shalt  }
0x58: {  	_ =	shalt  }
0x59: {  	_ =	shalt  }
0x5a: {  	_ =	shalt  }
0x5b: {  	_ =	shalt  }
0x5c: {  	_ =	shalt  }
0x5d: {  	_ =	shalt  }
0x5e: {  	_ =	shalt  }
0x5f: {  	_ =	shalt  }
0x60: {  	_ =	shalt  }
0x61: {  	_ =	shalt  }
0x62: {  	_ =	shalt  }
0x63: {  	_ =	shalt  }
0x64: {  	_ =	shalt  }
0x65: {  	_ =	shalt  }
0x66: {  	_ =	shalt  }
0x67: {  	_ =	shalt  }
0x68: {  	_ =	shalt  }
0x69: {  	_ =	shalt  }
0x6a: {  	_ =	shalt  }
0x6b: {  	_ =	shalt  }
0x6c: {  	_ =	shalt  }
0x6d: {  	_ =	shalt  }
0x6e: {  	_ =	shalt  }
0x6f: {  	_ =	shalt  }
0x70: {  	_ =	shalt  }
0x71: {  	_ =	shalt  }
0x72: {  	_ =	shalt  }
0x73: {  	_ =	shalt  }
0x74: {  	_ =	shalt  }
0x75: {  	_ =	shalt  }
0x76: {  	_ =	shalt  }
0x77: {  	_ =	shalt  }
0x78: {  	_ =	shalt  }
0x79: {  	_ =	shalt  }
0x7a: {  	_ =	shalt  }
0x7b: {  	_ =	shalt  }
0x7c: {  	_ =	shalt  }
0x7d: {  	_ =	shalt  }
0x7e: {  	_ =	shalt  }
0x7f: {  	_ =	shalt  }
0x80: {  	_ =	shalt  }
0x81: {  	_ =	shalt  }
0x82: {  	_ =	shalt  }
0x83: {  	_ =	shalt  }
0x84: {  	_ =	shalt  }
0x85: {  	_ =	shalt  }
0x86: {  	_ =	shalt  }
0x87: {  	_ =	shalt  }
.Lfunc_end0:
.L_simem_size_0:
called_computation_lowered:
.L_overlay_start_0:
0x88: {  	s2 =	sld [smem:$0x3FD9]  }
0x89: {  	s3 =	sld [smem:$0x3FFE];
	_ =	sdelay $0x1  }
0x8a: {  	s1 =	srdreg.scid  }
0x8b: {  	s0 =	sand.u32 $0x1, s1  }
0x8c: {  	s17 =	sshll.u32 s0, $0xA;
	s2 =	sadd.s32 s3, s2  }
0x8d: {  	s2 =	sadd.s32 s2, s17  }
0x8e: {  	[smem:$0x3FC7] =	sst s2  }
0x8f: {  	_ = 	snop  }
0x90: {  	s2 =	sld [smem:$0x3FC9];
	(tm) =	ssettm $0x1  }
0x91: {  	s18 =	sld [smem:$0x3FFB];
	_ =	sdelay $0x3  }
0x92: {  	_ =	strace s18  }
0x93: {  	s3 =	sld [smem:$0x3FFC];
	_ =	sdelay $0x3  }
0x94: {  	_ =	strace s3  }
0x95: {  	s3 =	sld [smem:$0x3FFD];
	_ =	sdelay $0x3  }
0x96: {  	_ =	strace s3  }
0x97: {  	_ =	strace $0x8FFFFFFF  }
0x98: {  	s19 =	sld [smem:$0x3FDB];
	_ =	sdelay $0x1  }
0x99: {  	s4 =	simm.s32 $_scs_section_size  }
0x9a: {  	s5 =	simm.s32 $_size__tile_overlayer_lowered;
	s6 =	simm.s32 $_tile_overlayer_lowered  }
0x9b: {  	s22 =	simm.s32 $0x1BFF;
	s21 =	sshll.u32 s6, $0x1;
	s3 =	sadd.s32 s4, s19  }
0x9c: {  	s7 =	simm.s32 $0x0;
	s20 =	sshll.u32 s5, $0x1;
	s5 =	sadd.s32 s21, s3  }
0x9d: {  	[timem:s7], [sflag:s22] =	dma.local [hbm:s5], s20  }
0x9e: {  	_ =	swait.ge [sflag:s22], s20  }
0x9f: {  	s4 =	ssub.s32 $0x0, s20;
	[sflag:s22] =	ssyncset.done $0x0  }
0xa0: {  	[sflag:s22] =	ssyncadd.s32 s4;
	_ =	sdelay $0x1  }
0xa1: {  	s23 =	simm.s32 $0x1B8B  }
0xa2: {  	_ =	swait.ge [sflag:s23], $0x1  }
0xa3: {  	[sflag:s23] =	ssyncset.done $0x0  }
0xa4: {  	s25 =	simm.s32 $0x1B8E;
	s24 =	sld [smem:$0x3FFE];
	[sflag:s23] =	ssyncadd.s32 $0xFFFFFFFF  }
0xa5: {  	s26 =	simm.s32 $execute0_lowered;
	[smem:$0x3FD2] =	sst s25  }
0xa6: {  	s5 =	sshll.u32 s26, $0x1;
	_ =	strace $0x80000046;
	[dreg:$0x1] =	wrdreg $0xFFFFFFFF  }
0xa7: {  	s28 =	simm.s32 $_size_execute0_lowered;
	s3 =	sadd.s32 s3, s5;
	[dreg:$0x0] =	wrdreg $0x0  }
0xa8: {  	s5 =	sshll.u32 s28, $0x1;
	[dreg:$0x2] =	wrdreg s3  }
0xa9: {  	[dreg:$0x3] =	wrdreg s5  }
0xaa: {  	[dreg:$0x4] =	wrdreg $0xC0  }
0xab: {  	_ =	task [dreg:s7], $0x5FFFF  }
0xac: {  	[dreg:$0x1] =	wrdreg $0xFFFFFFFF  }
0xad: {  	[dreg:$0x0] =	wrdreg $0x60  }
0xae: {  	[dreg:$0x2] =	wrdreg s2  }
0xaf: {  	[dreg:$0x3] =	wrdreg s24  }
0xb0: {  	[dreg:$0x4] =	wrdreg $0x9  }
0xb1: {  	_ =	task.clear_ibuf [dreg:s7], $0x5FFFF;
	_ =	strace $0x90000046  }
0xb2: {  	s29 =	simm.s32 $0x9;
	_ =	strace $0x80000048  }
0xb3: {  	_ =	swait.ge [sflag:s29], $0x1  }
0xb4: {  	[sflag:s29] =	ssyncadd.s32 $0xFFFFFFFF  }
0xb5: {  	_ =	strace $0x90000048  }
0xb6: {  	_ =	sfence  }
0xb7: {  	s30 =	sld [smem:$0x0];
	_ =	sdelay $0x2  }
0xb8: {  	s31 =	sshll.u32 s1, $0xD;
	s1 =	sshrl.u32 s1, $0x2  }
0xb9: {  	s3 =	sand.u32 $0x4000, s31;
	s1 =	sadd.s32 s1, s30  }
0xba: {  	s0 =	sor.u32 s3, s0;
	s1 =	sshll.u32 s1, $0x11  }
0xbb: {  	s0 =	sor.u32 s1, s0  }
0xbc: {  	s0 =	sadd.s32 $0x8F2B, s0  }
0xbd: {  	[sflag:s0] =	ssyncadd.remote.s32 $0x1  }
0xbe: {  	_ =	sfence.sel $0xFFFF  }
0xbf: {  	[dreg:$0x0] =	wrdreg $0xFFFFFFFF;
	(pc) =	sbr.abs _section_cstart, $3  }
0xc0: {  	[dreg:$0x1] =	wrdreg $0xFFFFFFFF  }
0xc1: {  	_ =	task.clear_ibuf [dreg:s7], $0x2FFFF;
	_ =	strace $0x9FFFFFFF  }
0xc2: {  	(tm) =	ssettm $0x7FFFFFFF  }
0xc3: {  	_ =	shalt  }
tec
execute0_lowered:
.L_overlay_start_1:
0x0: {  	(tag) =	ssettag $0x1  }
0x1: {  	v0 =	vimm.f32 $0.0e+00  }
0x2: {  	v1 =	vimm.s32 $0x2380;
	vm0 =	vcmask $0x300;
	v2 =	vimm.s32 $0x6380  }
0x3: {  	s0 =	rddreg [dreg:$0x0];
	vm1 =	vcmask $0x704;
	v1 =	vsel vm0, $0x0, v1;
	v2 =	vsel vm0, $0x4000, v2  }
0x4: {  	s3 =	rddreg [dreg:$0x1];
	s2 =	srdreg.scid;
	vm15 =	vcmask $0xB08;
	v1 =	vsel vm1, $0x80, v1;
	v2 =	vsel vm1, $0x4080, v2  }
0x5: {  	s1 =	stileid.u32;
	vm4 =	vcmask $0xF0C;
	s21 =	simm.s32 $0x3;
	s22 =	simm.s32 $0x200;
	v1 =	vsel vm15, $0x100, v1;
	v2 =	vsel vm15, $0x4100, v2  }
0x6: {  	vm5 =	vcmask $0x1310;
	s23 =	simm.s32 $0x8200;
	s24 =	simm.s32 $0x1;
	s25 =	simm.s32 $0x2;
	v1 =	vsel vm4, $0x180, v1;
	v2 =	vsel vm4, $0x4180, v2  }
0x7: {  	vm6 =	vcmask $0x1714;
	s26 =	simm.s32 $0x0;
	s4 =	sand.u32 $0x1, s2;
	s2 =	simm.s32 $0x0;
	v1 =	vsel vm5, $0x200, v1;
	v2 =	vsel vm5, $0x4200, v2  }
0x8: {  	vm7 =	vcmask $0x1B18;
	s5 =	sshll.u32 s1, $0xA;
	s6 =	sshll.u32 s4, $0x9;
	[smem:$0x7FF] =	sst s2;
	v1 =	vsel vm6, $0x280, v1;
	v2 =	vsel vm6, $0x4280, v2  }
0x9: {  	vm8 =	vcmask $0x1F1C;
	s4 =	ssub.s32 $0x2, s4;
	s5 =	sor.u32 s6, s5;
	_ =	strace $0x80000047;
	v1 =	vsel vm7, $0x300, v1;
	v2 =	vsel vm7, $0x4300, v2  }
0xa: {  	vm9 =	vcmask $0x2320;
	s7 =	sshrl.u32 s4, $0x1;
	s6 =	sshll.u32 s5, $0x7;
	s31 =	sshrl.u32 s5, $0x3;
	v1 =	vsel vm8, $0x380, v1;
	v2 =	vsel vm8, $0x4380, v2  }
0xb: {  	vm10 =	vcmask $0x2724;
	s20 =	ssub.s32 s4, s7;
	s19 =	sadd.s32 s6, s3;
	s0 =	sadd.s32 s0, s31;
	v1 =	vsel vm9, $0x2000, v1;
	v2 =	vsel vm9, $0x6000, v2  }
0xc: {  	vm11 =	vcmask $0x2B28;
	s20 =	smax.u32 s20, $0x1;
	[dreg:$0x3] =	wrdreg s0;
	s4 =	sadd.s32 $0x400, s19;
	v1 =	vsel vm10, $0x2080, v1;
	v2 =	vsel vm10, $0x6080, v2  }
0xd: {  	vm12 =	vcmask $0x2F2C;
	s5 =	sadd.s32 $0x1400, s19;
	s6 =	sadd.s32 $0x2400, s19;
	s7 =	sadd.s32 $0x3400, s19;
	v1 =	vsel vm11, $0x2100, v1;
	v2 =	vsel vm11, $0x6100, v2  }
0xe: {  	vm13 =	vcmask $0x3330;
	s8 =	sadd.s32 $0x4400, s19;
	s9 =	sadd.s32 $0x5400, s19;
	s10 =	sadd.s32 $0x6400, s19;
	v1 =	vsel vm12, $0x2180, v1;
	v2 =	vsel vm12, $0x6180, v2  }
0xf: {  	vm14 =	vcmask $0x3734;
	s11 =	sadd.s32 $0x7400, s19;
	s12 =	sadd.s32 $0x8400, s19;
	s13 =	sadd.s32 $0x9400, s19;
	v1 =	vsel vm13, $0x2200, v1;
	v2 =	vsel vm13, $0x6200, v2  }
0x10: {  	vm15 =	vcmask $0x3B38;
	s14 =	sadd.s32 $0xA400, s19;
	s15 =	sadd.s32 $0xB400, s19;
	s16 =	sadd.s32 $0xC400, s19;
	v1 =	vsel vm14, $0x2280, v1;
	v3 =	vsel vm14, $0x6280, v2  }
0x11: {  	s17 =	sadd.s32 $0xD400, s19;
	s18 =	sadd.s32 $0xE400, s19;
	s19 =	sadd.s32 $0xF400, s19;
	v2 =	vimm.f32 $1.000000000e+00;
	v1 =	vsel vm15, $0x2300, v1;
	v3 =	vsel vm15, $0x6300, v3  }
.LBB2_1:
0x12: {  	s0 =	rddreg [dreg:$0x3]  }
0x13: {  	[tilespmem:s2], [sflag:$0x3] =	stream.linear.gather [hbm4b:s0+s2], $0x200, $0x38;
	[tilespmem:$0x10200] =	vst v63  }
0x14: {  	s28 =	simm.s32 $0xFFFF8000;
	_ =	swait.ge [sflag:s21], $0x200  }
0x15: {  	s29 =	simm.s32 $0xFFFF8000;
	s30 =	simm.s32 $0x0;
	[sflag:s21] =	ssyncset.done $0x0  }
0x16: {  	s31 =	simm.s32 $0x0;
	s0 =	simm.s32 $0x0;
	[sflag:s21] =	ssyncadd.s32 $0xFFFFFE00  }
.LBB2_2:
0x17: {  	s1 =	sadd.s32 $0x8000, s29  }
0x18: {  	s3 =	sand.u32 $0x380, s0;
	s1 =	sand.u32 $0x6000, s1  }
0x19: {  	s1 =	sor.u32 s3, s1  }
0x1a: {  	[tilespmem:s1+$0x200] =	vst v0  }
0x1b: {  	[tilespmem:s1+$0x210] =	vst v0  }
0x1c: {  	[tilespmem:s1+$0x220] =	vst v0  }
0x1d: {  	[tilespmem:s1+$0x230] =	vst v0  }
0x1e: {  	[tilespmem:s1+$0x240] =	vst v0  }
0x1f: {  	[tilespmem:s1+$0x250] =	vst v0  }
0x20: {  	[tilespmem:s1+$0x260] =	vst v0  }
0x21: {  	[tilespmem:s1+$0x270] =	vst v0  }
0x22: {  	[tilespmem:s1+$0x600] =	vst v0  }
0x23: {  	[tilespmem:s1+$0x610] =	vst v0  }
0x24: {  	[tilespmem:s1+$0x620] =	vst v0  }
0x25: {  	[tilespmem:s1+$0x630] =	vst v0  }
0x26: {  	[tilespmem:s1+$0x640] =	vst v0  }
0x27: {  	[tilespmem:s1+$0x650] =	vst v0  }
0x28: {  	[tilespmem:s1+$0x660] =	vst v0  }
0x29: {  	[tilespmem:s1+$0x670] =	vst v0  }
0x2a: {  	[tilespmem:s1+$0xA00] =	vst v0  }
0x2b: {  	[tilespmem:s1+$0xA10] =	vst v0  }
0x2c: {  	[tilespmem:s1+$0xA20] =	vst v0  }
0x2d: {  	[tilespmem:s1+$0xA30] =	vst v0  }
0x2e: {  	[tilespmem:s1+$0xA40] =	vst v0  }
0x2f: {  	[tilespmem:s1+$0xA50] =	vst v0  }
0x30: {  	[tilespmem:s1+$0xA60] =	vst v0  }
0x31: {  	[tilespmem:s1+$0xA70] =	vst v0  }
0x32: {  	[tilespmem:s1+$0xE00] =	vst v0  }
0x33: {  	[tilespmem:s1+$0xE10] =	vst v0  }
0x34: {  	[tilespmem:s1+$0xE20] =	vst v0  }
0x35: {  	[tilespmem:s1+$0xE30] =	vst v0  }
0x36: {  	[tilespmem:s1+$0xE40] =	vst v0  }
0x37: {  	[tilespmem:s1+$0xE50] =	vst v0  }
0x38: {  	[tilespmem:s1+$0xE60] =	vst v0  }
0x39: {  	[tilespmem:s1+$0xE70] =	vst v0  }
0x3a: {  	[tilespmem:s1+$0x1200] =	vst v0  }
0x3b: {  	[tilespmem:s1+$0x1210] =	vst v0  }
0x3c: {  	[tilespmem:s1+$0x1220] =	vst v0  }
0x3d: {  	[tilespmem:s1+$0x1230] =	vst v0  }
0x3e: {  	[tilespmem:s1+$0x1240] =	vst v0  }
0x3f: {  	[tilespmem:s1+$0x1250] =	vst v0  }
0x40: {  	[tilespmem:s1+$0x1260] =	vst v0  }
0x41: {  	[tilespmem:s1+$0x1270] =	vst v0  }
0x42: {  	[tilespmem:s1+$0x1600] =	vst v0  }
0x43: {  	[tilespmem:s1+$0x1610] =	vst v0  }
0x44: {  	[tilespmem:s1+$0x1620] =	vst v0  }
0x45: {  	[tilespmem:s1+$0x1630] =	vst v0  }
0x46: {  	[tilespmem:s1+$0x1640] =	vst v0  }
0x47: {  	[tilespmem:s1+$0x1650] =	vst v0  }
0x48: {  	[tilespmem:s1+$0x1660] =	vst v0  }
0x49: {  	[tilespmem:s1+$0x1670] =	vst v0  }
0x4a: {  	[tilespmem:s1+$0x1A00] =	vst v0  }
0x4b: {  	[tilespmem:s1+$0x1A10] =	vst v0  }
0x4c: {  	[tilespmem:s1+$0x1A20] =	vst v0  }
0x4d: {  	[tilespmem:s1+$0x1A30] =	vst v0  }
0x4e: {  	s3 =	sand.u32 $0x7, s30;
	[tilespmem:s1+$0x1A40] =	vst v0  }
0x4f: {  	s3 =	sshll.u32 s3, $0x7;
	[tilespmem:s1+$0x1A50] =	vst v0  }
0x50: {  	[tilespmem:s1+$0x1A60] =	vst v0;
	s3 =	sadd.s32 s3, s31  }
0x51: {  	[tilespmem:s1+$0x1A70] =	vst v0;
	s1 =	sor.u32 $0x1C00, s3  }
0x52: {  	[tilespmem:s1+$0x200] =	vst v0;
	s1 =	sor.u32 $0x1C10, s3  }
0x53: {  	p0 =	sne.s32 s0, $0xF80;
	[tilespmem:s1+$0x200] =	vst v0;
	s1 =	sor.u32 $0x1C20, s3  }
.Ltmp0:
0x54: {  	[tilespmem:s1+$0x200] =	vst v0;
	s1 =	sor.u32 $0x1C30, s3;
	(pc) =	sbr.rel @p0 .LBB2_2-.Ltmp0, $4  }
0x55: {  	[tilespmem:s1+$0x200] =	vst v0;
	s1 =	sor.u32 $0x1C40, s3  }
0x56: {  	[tilespmem:s1+$0x200] =	vst v0;
	s1 =	sor.u32 $0x1C50, s3  }
0x57: {  	s29 =	sadd.s32 $0x400, s29;
	s3 =	sor.u32 $0x1C58, s3;
	[tilespmem:s1+$0x200] =	vst v0  }
0x58: {  	s0 =	sadd.s32 $0x80, s0;
	s30 =	sadd.s32 $0x1, s30;
	s31 =	sadd.s32 $0x400, s31;
	[tilespmem:s3+$0x200] =	vst v0  }
0x59: {  	s29 =	simm.s32 $0x0;
	s30 =	simm.s32 $0x0;
	s31 =	simm.s32 $0x0  }
.LBB2_4:
0x5a: {  	s0 =	sadd.s32 $0x8000, s28  }
0x5b: {  	s1 =	sand.u32 $0x380, s31;
	s0 =	sand.u32 $0x6000, s0  }
0x5c: {  	s0 =	sor.u32 s1, s0  }
0x5d: {  	[tilespmem:s0+$0x8200] =	vst v0  }
0x5e: {  	[tilespmem:s0+$0x8210] =	vst v0  }
0x5f: {  	[tilespmem:s0+$0x8220] =	vst v0  }
0x60: {  	[tilespmem:s0+$0x8230] =	vst v0  }
0x61: {  	[tilespmem:s0+$0x8240] =	vst v0  }
0x62: {  	[tilespmem:s0+$0x8250] =	vst v0  }
0x63: {  	[tilespmem:s0+$0x8260] =	vst v0  }
0x64: {  	[tilespmem:s0+$0x8270] =	vst v0  }
0x65: {  	[tilespmem:s0+$0x8600] =	vst v0  }
0x66: {  	[tilespmem:s0+$0x8610] =	vst v0  }
0x67: {  	[tilespmem:s0+$0x8620] =	vst v0  }
0x68: {  	[tilespmem:s0+$0x8630] =	vst v0  }
0x69: {  	[tilespmem:s0+$0x8640] =	vst v0  }
0x6a: {  	[tilespmem:s0+$0x8650] =	vst v0  }
0x6b: {  	[tilespmem:s0+$0x8660] =	vst v0  }
0x6c: {  	[tilespmem:s0+$0x8670] =	vst v0  }
0x6d: {  	[tilespmem:s0+$0x8A00] =	vst v0  }
0x6e: {  	[tilespmem:s0+$0x8A10] =	vst v0  }
0x6f: {  	[tilespmem:s0+$0x8A20] =	vst v0  }
0x70: {  	[tilespmem:s0+$0x8A30] =	vst v0  }
0x71: {  	[tilespmem:s0+$0x8A40] =	vst v0  }
0x72: {  	[tilespmem:s0+$0x8A50] =	vst v0  }
0x73: {  	[tilespmem:s0+$0x8A60] =	vst v0  }
0x74: {  	[tilespmem:s0+$0x8A70] =	vst v0  }
0x75: {  	[tilespmem:s0+$0x8E00] =	vst v0  }
0x76: {  	[tilespmem:s0+$0x8E10] =	vst v0  }
0x77: {  	[tilespmem:s0+$0x8E20] =	vst v0  }
0x78: {  	[tilespmem:s0+$0x8E30] =	vst v0  }
0x79: {  	[tilespmem:s0+$0x8E40] =	vst v0  }
0x7a: {  	[tilespmem:s0+$0x8E50] =	vst v0  }
0x7b: {  	[tilespmem:s0+$0x8E60] =	vst v0  }
0x7c: {  	[tilespmem:s0+$0x8E70] =	vst v0  }
0x7d: {  	[tilespmem:s0+$0x9200] =	vst v0  }
0x7e: {  	[tilespmem:s0+$0x9210] =	vst v0  }
0x7f: {  	[tilespmem:s0+$0x9220] =	vst v0  }
0x80: {  	[tilespmem:s0+$0x9230] =	vst v0  }
0x81: {  	[tilespmem:s0+$0x9240] =	vst v0  }
0x82: {  	[tilespmem:s0+$0x9250] =	vst v0  }
0x83: {  	[tilespmem:s0+$0x9260] =	vst v0  }
0x84: {  	[tilespmem:s0+$0x9270] =	vst v0  }
0x85: {  	[tilespmem:s0+$0x9600] =	vst v0  }
0x86: {  	[tilespmem:s0+$0x9610] =	vst v0  }
0x87: {  	[tilespmem:s0+$0x9620] =	vst v0  }
0x88: {  	[tilespmem:s0+$0x9630] =	vst v0  }
0x89: {  	[tilespmem:s0+$0x9640] =	vst v0  }
0x8a: {  	[tilespmem:s0+$0x9650] =	vst v0  }
0x8b: {  	[tilespmem:s0+$0x9660] =	vst v0  }
0x8c: {  	[tilespmem:s0+$0x9670] =	vst v0  }
0x8d: {  	[tilespmem:s0+$0x9A00] =	vst v0  }
0x8e: {  	[tilespmem:s0+$0x9A10] =	vst v0  }
0x8f: {  	[tilespmem:s0+$0x9A20] =	vst v0  }
0x90: {  	[tilespmem:s0+$0x9A30] =	vst v0  }
0x91: {  	s3 =	sand.u32 $0x7, s29;
	[tilespmem:s0+$0x9A40] =	vst v0  }
0x92: {  	s1 =	sshll.u32 s3, $0x7;
	[tilespmem:s0+$0x9A50] =	vst v0  }
0x93: {  	s1 =	sadd.s32 s1, s30;
	[tilespmem:s0+$0x9A60] =	vst v0  }
0x94: {  	[tilespmem:s0+$0x9A70] =	vst v0;
	s3 =	sor.u32 $0x1C00, s1  }
0x95: {  	[tilespmem:s3+$0x8200] =	vst v0;
	s3 =	sor.u32 $0x1C10, s1  }
0x96: {  	p0 =	sne.s32 s31, $0xF80;
	[tilespmem:s3+$0x8200] =	vst v0;
	s3 =	sor.u32 $0x1C20, s1  }
.Ltmp1:
0x97: {  	[tilespmem:s3+$0x8200] =	vst v0;
	s3 =	sor.u32 $0x1C30, s1;
	(pc) =	sbr.rel @p0 .LBB2_4-.Ltmp1, $4  }
0x98: {  	[tilespmem:s3+$0x8200] =	vst v0;
	s3 =	sor.u32 $0x1C40, s1  }
0x99: {  	[tilespmem:s3+$0x8200] =	vst v0;
	s3 =	sor.u32 $0x1C50, s1  }
0x9a: {  	s29 =	sadd.s32 $0x1, s29;
	[tilespmem:s3+$0x8200] =	vst v0;
	s3 =	sor.u32 $0x1C58, s1  }
0x9b: {  	s28 =	sadd.s32 $0x400, s28;
	s31 =	sadd.s32 $0x80, s31;
	s30 =	sadd.s32 $0x400, s30;
	[tilespmem:s3+$0x8200] =	vst v0  }
0x9c: {  	v4 =	vld [tilespmem:$0x0];
	_ =	sdelay $0x4  }
0x9d: {  	v5 =	vshll.u32 v4, $0x3  }
0x9e: {  	v4 =	vand.u32 $0x7F, v4;
	v5 =	vand.u32 $0xFFFFFC00, v5  }
0x9f: {  	v4 =	vor.u32 v4, v5  }
0xa0: {  	v4 =	vadd.s32 v1, v4;
	_ =	sdelay $0x4  }
0xa1: {  	[tilespmem:v4+s22+$0x0] =	vst.idx.msk $0xffff, v2  }
0xa2: {  	v4 =	vld [tilespmem:$0x10];
	_ =	sdelay $0x4  }
0xa3: {  	v5 =	vshll.u32 v4, $0x3  }
0xa4: {  	v4 =	vand.u32 $0x7F, v4;
	v5 =	vand.u32 $0xFFFFFC00, v5  }
0xa5: {  	v4 =	vor.u32 v4, v5  }
0xa6: {  	v4 =	vadd.s32 v3, v4;
	_ =	sdelay $0x4  }
0xa7: {  	[tilespmem:v4+s22+$0x0] =	vst.idx.msk $0xffff, v2  }
0xa8: {  	[hbm4b:s4+s2] =	stream.linear.scatter [tilespmem:s22], [sflag:$0x1], $0x8000, $0x38;
	[tilespmem:$0x10200] =	vst v63  }
0xa9: {  	v4 =	vld [tilespmem:$0x20];
	_ =	sdelay $0x4  }
0xaa: {  	v5 =	vshll.u32 v4, $0x3  }
0xab: {  	v4 =	vand.u32 $0x7F, v4;
	v5 =	vand.u32 $0xFFFFFC00, v5  }
0xac: {  	v4 =	vor.u32 v4, v5  }
0xad: {  	v4 =	vadd.s32 v1, v4;
	_ =	sdelay $0x4  }
0xae: {  	[tilespmem:v4+s23+$0x0] =	vst.idx.msk $0xffff, v2  }
0xaf: {  	v4 =	vld [tilespmem:$0x30];
	_ =	sdelay $0x4  }
0xb0: {  	v5 =	vshll.u32 v4, $0x3  }
0xb1: {  	v4 =	vand.u32 $0x7F, v4;
	v5 =	vand.u32 $0xFFFFFC00, v5  }
0xb2: {  	v4 =	vor.u32 v4, v5  }
0xb3: {  	v4 =	vadd.s32 v3, v4;
	_ =	sdelay $0x4  }
0xb4: {  	[tilespmem:v4+s23+$0x0] =	vst.idx.msk $0xffff, v2  }
0xb5: {  	[hbm4b:s5+s2] =	stream.linear.scatter [tilespmem:s23], [sflag:$0x2], $0x8000, $0x38;
	[tilespmem:$0x10200] =	vst v63  }
0xb6: {  	_ =	swait.ge [sflag:s24], $0x8000  }
0xb7: {  	[sflag:s24] =	ssyncset.done $0x0  }
0xb8: {  	[sflag:s24] =	ssyncadd.s32 $0xFFFF8000  }
0xb9: {  	v4 =	vld [tilespmem:$0x0];
	_ =	sdelay $0x4  }
0xba: {  	v5 =	vshll.u32 v4, $0x3  }
0xbb: {  	v4 =	vand.u32 $0x7F, v4;
	v5 =	vand.u32 $0xFFFFFC00, v5  }
0xbc: {  	v4 =	vor.u32 v4, v5  }
0xbd: {  	v4 =	vadd.s32 v1, v4;
	_ =	sdelay $0x4  }
0xbe: {  	[tilespmem:v4+s22+$0x0] =	vst.idx.msk $0xffff, v0  }
0xbf: {  	v4 =	vld [tilespmem:$0x10];
	_ =	sdelay $0x4  }
0xc0: {  	v5 =	vshll.u32 v4, $0x3  }
0xc1: {  	v4 =	vand.u32 $0x7F, v4;
	v5 =	vand.u32 $0xFFFFFC00, v5  }
0xc2: {  	v4 =	vor.u32 v4, v5  }
0xc3: {  	v4 =	vadd.s32 v3, v4;
	_ =	sdelay $0x4  }
0xc4: {  	[tilespmem:v4+s22+$0x0] =	vst.idx.msk $0xffff, v0  }
0xc5: {  	v4 =	vld [tilespmem:$0x40];
	_ =	sdelay $0x4  }
0xc6: {  	v5 =	vshll.u32 v4, $0x3  }
0xc7: {  	v4 =	vand.u32 $0x7F, v4;
	v5 =	vand.u32 $0xFFFFFC00, v5  }
0xc8: {  	v4 =	vor.u32 v4, v5  }
0xc9: {  	v4 =	vadd.s32 v1, v4;
	_ =	sdelay $0x4  }
0xca: {  	[tilespmem:v4+s22+$0x0] =	vst.idx.msk $0xffff, v2  }
0xcb: {  	v4 =	vld [tilespmem:$0x50];
	_ =	sdelay $0x4  }
0xcc: {  	v5 =	vshll.u32 v4, $0x3  }
0xcd: {  	v4 =	vand.u32 $0x7F, v4;
	v5 =	vand.u32 $0xFFFFFC00, v5  }
0xce: {  	v4 =	vor.u32 v4, v5  }
0xcf: {  	v4 =	vadd.s32 v3, v4;
	_ =	sdelay $0x4  }
0xd0: {  	[tilespmem:v4+s22+$0x0] =	vst.idx.msk $0xffff, v2  }
0xd1: {  	[hbm4b:s6+s2] =	stream.linear.scatter [tilespmem:s22], [sflag:$0x1], $0x8000, $0x38;
	[tilespmem:$0x10200] =	vst v63  }
0xd2: {  	_ =	swait.ge [sflag:s25], $0x8000  }
0xd3: {  	[sflag:s25] =	ssyncset.done $0x0  }
0xd4: {  	[sflag:s25] =	ssyncadd.s32 $0xFFFF8000  }
0xd5: {  	v4 =	vld [tilespmem:$0x20];
	_ =	sdelay $0x4  }
0xd6: {  	v5 =	vshll.u32 v4, $0x3  }
0xd7: {  	v4 =	vand.u32 $0x7F, v4;
	v5 =	vand.u32 $0xFFFFFC00, v5  }
0xd8: {  	v4 =	vor.u32 v4, v5  }
0xd9: {  	v4 =	vadd.s32 v1, v4;
	_ =	sdelay $0x4  }
0xda: {  	[tilespmem:v4+s23+$0x0] =	vst.idx.msk $0xffff, v0  }
0xdb: {  	v4 =	vld [tilespmem:$0x30];
	_ =	sdelay $0x4  }
0xdc: {  	v5 =	vshll.u32 v4, $0x3  }
0xdd: {  	v4 =	vand.u32 $0x7F, v4;
	v5 =	vand.u32 $0xFFFFFC00, v5  }
0xde: {  	v4 =	vor.u32 v4, v5  }
0xdf: {  	v4 =	vadd.s32 v3, v4;
	_ =	sdelay $0x4  }
0xe0: {  	[tilespmem:v4+s23+$0x0] =	vst.idx.msk $0xffff, v0  }
0xe1: {  	v4 =	vld [tilespmem:$0x60];
	_ =	sdelay $0x4  }
0xe2: {  	v5 =	vshll.u32 v4, $0x3  }
0xe3: {  	v4 =	vand.u32 $0x7F, v4;
	v5 =	vand.u32 $0xFFFFFC00, v5  }
0xe4: {  	v4 =	vor.u32 v4, v5  }
0xe5: {  	v4 =	vadd.s32 v1, v4;
	_ =	sdelay $0x4  }
0xe6: {  	[tilespmem:v4+s23+$0x0] =	vst.idx.msk $0xffff, v2  }
0xe7: {  	v4 =	vld [tilespmem:$0x70];
	_ =	sdelay $0x4  }
0xe8: {  	v5 =	vshll.u32 v4, $0x3  }
0xe9: {  	v4 =	vand.u32 $0x7F, v4;
	v5 =	vand.u32 $0xFFFFFC00, v5  }
0xea: {  	v4 =	vor.u32 v4, v5  }
0xeb: {  	v4 =	vadd.s32 v3, v4;
	_ =	sdelay $0x4  }
0xec: {  	[tilespmem:v4+s23+$0x0] =	vst.idx.msk $0xffff, v2  }
0xed: {  	[hbm4b:s7+s2] =	stream.linear.scatter [tilespmem:s23], [sflag:$0x2], $0x8000, $0x38;
	[tilespmem:$0x10200] =	vst v63  }
0xee: {  	_ =	swait.ge [sflag:s24], $0x8000  }
0xef: {  	[sflag:s24] =	ssyncset.done $0x0  }
0xf0: {  	[sflag:s24] =	ssyncadd.s32 $0xFFFF8000  }
0xf1: {  	v4 =	vld [tilespmem:$0x40];
	_ =	sdelay $0x4  }
0xf2: {  	v5 =	vshll.u32 v4, $0x3  }
0xf3: {  	v4 =	vand.u32 $0x7F, v4;
	v5 =	vand.u32 $0xFFFFFC00, v5  }
0xf4: {  	v4 =	vor.u32 v4, v5  }
0xf5: {  	v4 =	vadd.s32 v1, v4;
	_ =	sdelay $0x4  }
0xf6: {  	[tilespmem:v4+s22+$0x0] =	vst.idx.msk $0xffff, v0  }
0xf7: {  	v4 =	vld [tilespmem:$0x50];
	_ =	sdelay $0x4  }
0xf8: {  	v5 =	vshll.u32 v4, $0x3  }
0xf9: {  	v4 =	vand.u32 $0x7F, v4;
	v5 =	vand.u32 $0xFFFFFC00, v5  }
0xfa: {  	v4 =	vor.u32 v4, v5  }
0xfb: {  	v4 =	vadd.s32 v3, v4;
	_ =	sdelay $0x4  }
0xfc: {  	[tilespmem:v4+s22+$0x0] =	vst.idx.msk $0xffff, v0  }
0xfd: {  	v4 =	vld [tilespmem:$0x80];
	_ =	sdelay $0x4  }
0xfe: {  	v5 =	vshll.u32 v4, $0x3  }
0xff: {  	v4 =	vand.u32 $0x7F, v4;
	v5 =	vand.u32 $0xFFFFFC00, v5  }
0x100: {  	v4 =	vor.u32 v4, v5  }
0x101: {  	v4 =	vadd.s32 v1, v4;
	_ =	sdelay $0x4  }
0x102: {  	[tilespmem:v4+s22+$0x0] =	vst.idx.msk $0xffff, v2  }
0x103: {  	v4 =	vld [tilespmem:$0x90];
	_ =	sdelay $0x4  }
0x104: {  	v5 =	vshll.u32 v4, $0x3  }
0x105: {  	v4 =	vand.u32 $0x7F, v4;
	v5 =	vand.u32 $0xFFFFFC00, v5  }
0x106: {  	v4 =	vor.u32 v4, v5  }
0x107: {  	v4 =	vadd.s32 v3, v4;
	_ =	sdelay $0x4  }
0x108: {  	[tilespmem:v4+s22+$0x0] =	vst.idx.msk $0xffff, v2  }
0x109: {  	[hbm4b:s8+s2] =	stream.linear.scatter [tilespmem:s22], [sflag:$0x1], $0x8000, $0x38;
	[tilespmem:$0x10200] =	vst v63  }
0x10a: {  	_ =	swait.ge [sflag:s25], $0x8000  }
0x10b: {  	[sflag:s25] =	ssyncset.done $0x0  }
0x10c: {  	[sflag:s25] =	ssyncadd.s32 $0xFFFF8000  }
0x10d: {  	v4 =	vld [tilespmem:$0x60];
	_ =	sdelay $0x4  }
0x10e: {  	v5 =	vshll.u32 v4, $0x3  }
0x10f: {  	v4 =	vand.u32 $0x7F, v4;
	v5 =	vand.u32 $0xFFFFFC00, v5  }
0x110: {  	v4 =	vor.u32 v4, v5  }
0x111: {  	v4 =	vadd.s32 v1, v4;
	_ =	sdelay $0x4  }
0x112: {  	[tilespmem:v4+s23+$0x0] =	vst.idx.msk $0xffff, v0  }
0x113: {  	v4 =	vld [tilespmem:$0x70];
	_ =	sdelay $0x4  }
0x114: {  	v5 =	vshll.u32 v4, $0x3  }
0x115: {  	v4 =	vand.u32 $0x7F, v4;
	v5 =	vand.u32 $0xFFFFFC00, v5  }
0x116: {  	v4 =	vor.u32 v4, v5  }
0x117: {  	v4 =	vadd.s32 v3, v4;
	_ =	sdelay $0x4  }
0x118: {  	[tilespmem:v4+s23+$0x0] =	vst.idx.msk $0xffff, v0  }
0x119: {  	v4 =	vld [tilespmem:$0xA0];
	_ =	sdelay $0x4  }
0x11a: {  	v5 =	vshll.u32 v4, $0x3  }
0x11b: {  	v4 =	vand.u32 $0x7F, v4;
	v5 =	vand.u32 $0xFFFFFC00, v5  }
0x11c: {  	v4 =	vor.u32 v4, v5  }
0x11d: {  	v4 =	vadd.s32 v1, v4;
	_ =	sdelay $0x4  }
0x11e: {  	[tilespmem:v4+s23+$0x0] =	vst.idx.msk $0xffff, v2  }
0x11f: {  	v4 =	vld [tilespmem:$0xB0];
	_ =	sdelay $0x4  }
0x120: {  	v5 =	vshll.u32 v4, $0x3  }
0x121: {  	v4 =	vand.u32 $0x7F, v4;
	v5 =	vand.u32 $0xFFFFFC00, v5  }
0x122: {  	v4 =	vor.u32 v4, v5  }
0x123: {  	v4 =	vadd.s32 v3, v4;
	_ =	sdelay $0x4  }
0x124: {  	[tilespmem:v4+s23+$0x0] =	vst.idx.msk $0xffff, v2  }
0x125: {  	[hbm4b:s9+s2] =	stream.linear.scatter [tilespmem:s23], [sflag:$0x2], $0x8000, $0x38;
	[tilespmem:$0x10200] =	vst v63  }
0x126: {  	_ =	swait.ge [sflag:s24], $0x8000  }
0x127: {  	[sflag:s24] =	ssyncset.done $0x0  }
0x128: {  	[sflag:s24] =	ssyncadd.s32 $0xFFFF8000  }
0x129: {  	v4 =	vld [tilespmem:$0x80];
	_ =	sdelay $0x4  }
0x12a: {  	v5 =	vshll.u32 v4, $0x3  }
0x12b: {  	v4 =	vand.u32 $0x7F, v4;
	v5 =	vand.u32 $0xFFFFFC00, v5  }
0x12c: {  	v4 =	vor.u32 v4, v5  }
0x12d: {  	v4 =	vadd.s32 v1, v4;
	_ =	sdelay $0x4  }
0x12e: {  	[tilespmem:v4+s22+$0x0] =	vst.idx.msk $0xffff, v0  }
0x12f: {  	v4 =	vld [tilespmem:$0x90];
	_ =	sdelay $0x4  }
0x130: {  	v5 =	vshll.u32 v4, $0x3  }
0x131: {  	v4 =	vand.u32 $0x7F, v4;
	v5 =	vand.u32 $0xFFFFFC00, v5  }
0x132: {  	v4 =	vor.u32 v4, v5  }
0x133: {  	v4 =	vadd.s32 v3, v4;
	_ =	sdelay $0x4  }
0x134: {  	[tilespmem:v4+s22+$0x0] =	vst.idx.msk $0xffff, v0  }
0x135: {  	v4 =	vld [tilespmem:$0xC0];
	_ =	sdelay $0x4  }
0x136: {  	v5 =	vshll.u32 v4, $0x3  }
0x137: {  	v4 =	vand.u32 $0x7F, v4;
	v5 =	vand.u32 $0xFFFFFC00, v5  }
0x138: {  	v4 =	vor.u32 v4, v5  }
0x139: {  	v4 =	vadd.s32 v1, v4;
	_ =	sdelay $0x4  }
0x13a: {  	[tilespmem:v4+s22+$0x0] =	vst.idx.msk $0xffff, v2  }
0x13b: {  	v4 =	vld [tilespmem:$0xD0];
	_ =	sdelay $0x4  }
0x13c: {  	v5 =	vshll.u32 v4, $0x3  }
0x13d: {  	v4 =	vand.u32 $0x7F, v4;
	v5 =	vand.u32 $0xFFFFFC00, v5  }
0x13e: {  	v4 =	vor.u32 v4, v5  }
0x13f: {  	v4 =	vadd.s32 v3, v4;
	_ =	sdelay $0x4  }
0x140: {  	[tilespmem:v4+s22+$0x0] =	vst.idx.msk $0xffff, v2  }
0x141: {  	[hbm4b:s10+s2] =	stream.linear.scatter [tilespmem:s22], [sflag:$0x1], $0x8000, $0x38;
	[tilespmem:$0x10200] =	vst v63  }
0x142: {  	_ =	swait.ge [sflag:s25], $0x8000  }
0x143: {  	[sflag:s25] =	ssyncset.done $0x0  }
0x144: {  	[sflag:s25] =	ssyncadd.s32 $0xFFFF8000  }
0x145: {  	v4 =	vld [tilespmem:$0xA0];
	_ =	sdelay $0x4  }
0x146: {  	v5 =	vshll.u32 v4, $0x3  }
0x147: {  	v4 =	vand.u32 $0x7F, v4;
	v5 =	vand.u32 $0xFFFFFC00, v5  }
0x148: {  	v4 =	vor.u32 v4, v5  }
0x149: {  	v4 =	vadd.s32 v1, v4;
	_ =	sdelay $0x4  }
0x14a: {  	[tilespmem:v4+s23+$0x0] =	vst.idx.msk $0xffff, v0  }
0x14b: {  	v4 =	vld [tilespmem:$0xB0];
	_ =	sdelay $0x4  }
0x14c: {  	v5 =	vshll.u32 v4, $0x3  }
0x14d: {  	v4 =	vand.u32 $0x7F, v4;
	v5 =	vand.u32 $0xFFFFFC00, v5  }
0x14e: {  	v4 =	vor.u32 v4, v5  }
0x14f: {  	v4 =	vadd.s32 v3, v4;
	_ =	sdelay $0x4  }
0x150: {  	[tilespmem:v4+s23+$0x0] =	vst.idx.msk $0xffff, v0  }
0x151: {  	v4 =	vld [tilespmem:$0xE0];
	_ =	sdelay $0x4  }
0x152: {  	v5 =	vshll.u32 v4, $0x3  }
0x153: {  	v4 =	vand.u32 $0x7F, v4;
	v5 =	vand.u32 $0xFFFFFC00, v5  }
0x154: {  	v4 =	vor.u32 v4, v5  }
0x155: {  	v4 =	vadd.s32 v1, v4;
	_ =	sdelay $0x4  }
0x156: {  	[tilespmem:v4+s23+$0x0] =	vst.idx.msk $0xffff, v2  }
0x157: {  	v4 =	vld [tilespmem:$0xF0];
	_ =	sdelay $0x4  }
0x158: {  	v5 =	vshll.u32 v4, $0x3  }
0x159: {  	v4 =	vand.u32 $0x7F, v4;
	v5 =	vand.u32 $0xFFFFFC00, v5  }
0x15a: {  	v4 =	vor.u32 v4, v5  }
0x15b: {  	v4 =	vadd.s32 v3, v4;
	_ =	sdelay $0x4  }
0x15c: {  	[tilespmem:v4+s23+$0x0] =	vst.idx.msk $0xffff, v2  }
0x15d: {  	[hbm4b:s11+s2] =	stream.linear.scatter [tilespmem:s23], [sflag:$0x2], $0x8000, $0x38;
	[tilespmem:$0x10200] =	vst v63  }
0x15e: {  	_ =	swait.ge [sflag:s24], $0x8000  }
0x15f: {  	[sflag:s24] =	ssyncset.done $0x0  }
0x160: {  	[sflag:s24] =	ssyncadd.s32 $0xFFFF8000  }
0x161: {  	v4 =	vld [tilespmem:$0xC0];
	_ =	sdelay $0x4  }
0x162: {  	v5 =	vshll.u32 v4, $0x3  }
0x163: {  	v4 =	vand.u32 $0x7F, v4;
	v5 =	vand.u32 $0xFFFFFC00, v5  }
0x164: {  	v4 =	vor.u32 v4, v5  }
0x165: {  	v4 =	vadd.s32 v1, v4;
	_ =	sdelay $0x4  }
0x166: {  	[tilespmem:v4+s22+$0x0] =	vst.idx.msk $0xffff, v0  }
0x167: {  	v4 =	vld [tilespmem:$0xD0];
	_ =	sdelay $0x4  }
0x168: {  	v5 =	vshll.u32 v4, $0x3  }
0x169: {  	v4 =	vand.u32 $0x7F, v4;
	v5 =	vand.u32 $0xFFFFFC00, v5  }
0x16a: {  	v4 =	vor.u32 v4, v5  }
0x16b: {  	v4 =	vadd.s32 v3, v4;
	_ =	sdelay $0x4  }
0x16c: {  	[tilespmem:v4+s22+$0x0] =	vst.idx.msk $0xffff, v0  }
0x16d: {  	v4 =	vld [tilespmem:$0x100];
	_ =	sdelay $0x4  }
0x16e: {  	v5 =	vshll.u32 v4, $0x3  }
0x16f: {  	v4 =	vand.u32 $0x7F, v4;
	v5 =	vand.u32 $0xFFFFFC00, v5  }
0x170: {  	v4 =	vor.u32 v4, v5  }
0x171: {  	v4 =	vadd.s32 v1, v4;
	_ =	sdelay $0x4  }
0x172: {  	[tilespmem:v4+s22+$0x0] =	vst.idx.msk $0xffff, v2  }
0x173: {  	v4 =	vld [tilespmem:$0x110];
	_ =	sdelay $0x4  }
0x174: {  	v5 =	vshll.u32 v4, $0x3  }
0x175: {  	v4 =	vand.u32 $0x7F, v4;
	v5 =	vand.u32 $0xFFFFFC00, v5  }
0x176: {  	v4 =	vor.u32 v4, v5  }
0x177: {  	v4 =	vadd.s32 v3, v4;
	_ =	sdelay $0x4  }
0x178: {  	[tilespmem:v4+s22+$0x0] =	vst.idx.msk $0xffff, v2  }
0x179: {  	[hbm4b:s12+s2] =	stream.linear.scatter [tilespmem:s22], [sflag:$0x1], $0x8000, $0x38;
	[tilespmem:$0x10200] =	vst v63  }
0x17a: {  	_ =	swait.ge [sflag:s25], $0x8000  }
0x17b: {  	[sflag:s25] =	ssyncset.done $0x0  }
0x17c: {  	[sflag:s25] =	ssyncadd.s32 $0xFFFF8000  }
0x17d: {  	v4 =	vld [tilespmem:$0xE0];
	_ =	sdelay $0x4  }
0x17e: {  	v5 =	vshll.u32 v4, $0x3  }
0x17f: {  	v4 =	vand.u32 $0x7F, v4;
	v5 =	vand.u32 $0xFFFFFC00, v5  }
0x180: {  	v4 =	vor.u32 v4, v5  }
0x181: {  	v4 =	vadd.s32 v1, v4;
	_ =	sdelay $0x4  }
0x182: {  	[tilespmem:v4+s23+$0x0] =	vst.idx.msk $0xffff, v0  }
0x183: {  	v4 =	vld [tilespmem:$0xF0];
	_ =	sdelay $0x4  }
0x184: {  	v5 =	vshll.u32 v4, $0x3  }
0x185: {  	v4 =	vand.u32 $0x7F, v4;
	v5 =	vand.u32 $0xFFFFFC00, v5  }
0x186: {  	v4 =	vor.u32 v4, v5  }
0x187: {  	v4 =	vadd.s32 v3, v4;
	_ =	sdelay $0x4  }
0x188: {  	[tilespmem:v4+s23+$0x0] =	vst.idx.msk $0xffff, v0  }
0x189: {  	v4 =	vld [tilespmem:$0x120];
	_ =	sdelay $0x4  }
0x18a: {  	v5 =	vshll.u32 v4, $0x3  }
0x18b: {  	v4 =	vand.u32 $0x7F, v4;
	v5 =	vand.u32 $0xFFFFFC00, v5  }
0x18c: {  	v4 =	vor.u32 v4, v5  }
0x18d: {  	v4 =	vadd.s32 v1, v4;
	_ =	sdelay $0x4  }
0x18e: {  	[tilespmem:v4+s23+$0x0] =	vst.idx.msk $0xffff, v2  }
0x18f: {  	v4 =	vld [tilespmem:$0x130];
	_ =	sdelay $0x4  }
0x190: {  	v5 =	vshll.u32 v4, $0x3  }
0x191: {  	v4 =	vand.u32 $0x7F, v4;
	v5 =	vand.u32 $0xFFFFFC00, v5  }
0x192: {  	v4 =	vor.u32 v4, v5  }
0x193: {  	v4 =	vadd.s32 v3, v4;
	_ =	sdelay $0x4  }
0x194: {  	[tilespmem:v4+s23+$0x0] =	vst.idx.msk $0xffff, v2  }
0x195: {  	[hbm4b:s13+s2] =	stream.linear.scatter [tilespmem:s23], [sflag:$0x2], $0x8000, $0x38;
	[tilespmem:$0x10200] =	vst v63  }
0x196: {  	_ =	swait.ge [sflag:s24], $0x8000  }
0x197: {  	[sflag:s24] =	ssyncset.done $0x0  }
0x198: {  	[sflag:s24] =	ssyncadd.s32 $0xFFFF8000  }
0x199: {  	v4 =	vld [tilespmem:$0x100];
	_ =	sdelay $0x4  }
0x19a: {  	v5 =	vshll.u32 v4, $0x3  }
0x19b: {  	v4 =	vand.u32 $0x7F, v4;
	v5 =	vand.u32 $0xFFFFFC00, v5  }
0x19c: {  	v4 =	vor.u32 v4, v5  }
0x19d: {  	v4 =	vadd.s32 v1, v4;
	_ =	sdelay $0x4  }
0x19e: {  	[tilespmem:v4+s22+$0x0] =	vst.idx.msk $0xffff, v0  }
0x19f: {  	v4 =	vld [tilespmem:$0x110];
	_ =	sdelay $0x4  }
0x1a0: {  	v5 =	vshll.u32 v4, $0x3  }
0x1a1: {  	v4 =	vand.u32 $0x7F, v4;
	v5 =	vand.u32 $0xFFFFFC00, v5  }
0x1a2: {  	v4 =	vor.u32 v4, v5  }
0x1a3: {  	v4 =	vadd.s32 v3, v4;
	_ =	sdelay $0x4  }
0x1a4: {  	[tilespmem:v4+s22+$0x0] =	vst.idx.msk $0xffff, v0  }
0x1a5: {  	v4 =	vld [tilespmem:$0x140];
	_ =	sdelay $0x4  }
0x1a6: {  	v5 =	vshll.u32 v4, $0x3  }
0x1a7: {  	v4 =	vand.u32 $0x7F, v4;
	v5 =	vand.u32 $0xFFFFFC00, v5  }
0x1a8: {  	v4 =	vor.u32 v4, v5  }
0x1a9: {  	v4 =	vadd.s32 v1, v4;
	_ =	sdelay $0x4  }
0x1aa: {  	[tilespmem:v4+s22+$0x0] =	vst.idx.msk $0xffff, v2  }
0x1ab: {  	v4 =	vld [tilespmem:$0x150];
	_ =	sdelay $0x4  }
0x1ac: {  	v5 =	vshll.u32 v4, $0x3  }
0x1ad: {  	v4 =	vand.u32 $0x7F, v4;
	v5 =	vand.u32 $0xFFFFFC00, v5  }
0x1ae: {  	v4 =	vor.u32 v4, v5  }
0x1af: {  	v4 =	vadd.s32 v3, v4;
	_ =	sdelay $0x4  }
0x1b0: {  	[tilespmem:v4+s22+$0x0] =	vst.idx.msk $0xffff, v2  }
0x1b1: {  	[hbm4b:s14+s2] =	stream.linear.scatter [tilespmem:s22], [sflag:$0x1], $0x8000, $0x38;
	[tilespmem:$0x10200] =	vst v63  }
0x1b2: {  	_ =	swait.ge [sflag:s25], $0x8000  }
0x1b3: {  	[sflag:s25] =	ssyncset.done $0x0  }
0x1b4: {  	[sflag:s25] =	ssyncadd.s32 $0xFFFF8000  }
0x1b5: {  	v4 =	vld [tilespmem:$0x120];
	_ =	sdelay $0x4  }
0x1b6: {  	v5 =	vshll.u32 v4, $0x3  }
0x1b7: {  	v4 =	vand.u32 $0x7F, v4;
	v5 =	vand.u32 $0xFFFFFC00, v5  }
0x1b8: {  	v4 =	vor.u32 v4, v5  }
0x1b9: {  	v4 =	vadd.s32 v1, v4;
	_ =	sdelay $0x4  }
0x1ba: {  	[tilespmem:v4+s23+$0x0] =	vst.idx.msk $0xffff, v0  }
0x1bb: {  	v4 =	vld [tilespmem:$0x130];
	_ =	sdelay $0x4  }
0x1bc: {  	v5 =	vshll.u32 v4, $0x3  }
0x1bd: {  	v4 =	vand.u32 $0x7F, v4;
	v5 =	vand.u32 $0xFFFFFC00, v5  }
0x1be: {  	v4 =	vor.u32 v4, v5  }
0x1bf: {  	v4 =	vadd.s32 v3, v4;
	_ =	sdelay $0x4  }
0x1c0: {  	[tilespmem:v4+s23+$0x0] =	vst.idx.msk $0xffff, v0  }
0x1c1: {  	v4 =	vld [tilespmem:$0x160];
	_ =	sdelay $0x4  }
0x1c2: {  	v5 =	vshll.u32 v4, $0x3  }
0x1c3: {  	v4 =	vand.u32 $0x7F, v4;
	v5 =	vand.u32 $0xFFFFFC00, v5  }
0x1c4: {  	v4 =	vor.u32 v4, v5  }
0x1c5: {  	v4 =	vadd.s32 v1, v4;
	_ =	sdelay $0x4  }
0x1c6: {  	[tilespmem:v4+s23+$0x0] =	vst.idx.msk $0xffff, v2  }
0x1c7: {  	v4 =	vld [tilespmem:$0x170];
	_ =	sdelay $0x4  }
0x1c8: {  	v5 =	vshll.u32 v4, $0x3  }
0x1c9: {  	v4 =	vand.u32 $0x7F, v4;
	v5 =	vand.u32 $0xFFFFFC00, v5  }
0x1ca: {  	v4 =	vor.u32 v4, v5  }
0x1cb: {  	v4 =	vadd.s32 v3, v4;
	_ =	sdelay $0x4  }
0x1cc: {  	[tilespmem:v4+s23+$0x0] =	vst.idx.msk $0xffff, v2  }
0x1cd: {  	[hbm4b:s15+s2] =	stream.linear.scatter [tilespmem:s23], [sflag:$0x2], $0x8000, $0x38;
	[tilespmem:$0x10200] =	vst v63  }
0x1ce: {  	_ =	swait.ge [sflag:s24], $0x8000  }
0x1cf: {  	[sflag:s24] =	ssyncset.done $0x0  }
0x1d0: {  	[sflag:s24] =	ssyncadd.s32 $0xFFFF8000  }
0x1d1: {  	v4 =	vld [tilespmem:$0x140];
	_ =	sdelay $0x4  }
0x1d2: {  	v5 =	vshll.u32 v4, $0x3  }
0x1d3: {  	v4 =	vand.u32 $0x7F, v4;
	v5 =	vand.u32 $0xFFFFFC00, v5  }
0x1d4: {  	v4 =	vor.u32 v4, v5  }
0x1d5: {  	v4 =	vadd.s32 v1, v4;
	_ =	sdelay $0x4  }
0x1d6: {  	[tilespmem:v4+s22+$0x0] =	vst.idx.msk $0xffff, v0  }
0x1d7: {  	v4 =	vld [tilespmem:$0x150];
	_ =	sdelay $0x4  }
0x1d8: {  	v5 =	vshll.u32 v4, $0x3  }
0x1d9: {  	v4 =	vand.u32 $0x7F, v4;
	v5 =	vand.u32 $0xFFFFFC00, v5  }
0x1da: {  	v4 =	vor.u32 v4, v5  }
0x1db: {  	v4 =	vadd.s32 v3, v4;
	_ =	sdelay $0x4  }
0x1dc: {  	[tilespmem:v4+s22+$0x0] =	vst.idx.msk $0xffff, v0  }
0x1dd: {  	v4 =	vld [tilespmem:$0x180];
	_ =	sdelay $0x4  }
0x1de: {  	v5 =	vshll.u32 v4, $0x3  }
0x1df: {  	v4 =	vand.u32 $0x7F, v4;
	v5 =	vand.u32 $0xFFFFFC00, v5  }
0x1e0: {  	v4 =	vor.u32 v4, v5  }
0x1e1: {  	v4 =	vadd.s32 v1, v4;
	_ =	sdelay $0x4  }
0x1e2: {  	[tilespmem:v4+s22+$0x0] =	vst.idx.msk $0xffff, v2  }
0x1e3: {  	v4 =	vld [tilespmem:$0x190];
	_ =	sdelay $0x4  }
0x1e4: {  	v5 =	vshll.u32 v4, $0x3  }
0x1e5: {  	v4 =	vand.u32 $0x7F, v4;
	v5 =	vand.u32 $0xFFFFFC00, v5  }
0x1e6: {  	v4 =	vor.u32 v4, v5  }
0x1e7: {  	v4 =	vadd.s32 v3, v4;
	_ =	sdelay $0x4  }
0x1e8: {  	[tilespmem:v4+s22+$0x0] =	vst.idx.msk $0xffff, v2  }
0x1e9: {  	[hbm4b:s16+s2] =	stream.linear.scatter [tilespmem:s22], [sflag:$0x1], $0x8000, $0x38;
	[tilespmem:$0x10200] =	vst v63  }
0x1ea: {  	_ =	swait.ge [sflag:s25], $0x8000  }
0x1eb: {  	[sflag:s25] =	ssyncset.done $0x0  }
0x1ec: {  	[sflag:s25] =	ssyncadd.s32 $0xFFFF8000  }
0x1ed: {  	v4 =	vld [tilespmem:$0x160];
	_ =	sdelay $0x4  }
0x1ee: {  	v5 =	vshll.u32 v4, $0x3  }
0x1ef: {  	v4 =	vand.u32 $0x7F, v4;
	v5 =	vand.u32 $0xFFFFFC00, v5  }
0x1f0: {  	v4 =	vor.u32 v4, v5  }
0x1f1: {  	v4 =	vadd.s32 v1, v4;
	_ =	sdelay $0x4  }
0x1f2: {  	[tilespmem:v4+s23+$0x0] =	vst.idx.msk $0xffff, v0  }
0x1f3: {  	v4 =	vld [tilespmem:$0x170];
	_ =	sdelay $0x4  }
0x1f4: {  	v5 =	vshll.u32 v4, $0x3  }
0x1f5: {  	v4 =	vand.u32 $0x7F, v4;
	v5 =	vand.u32 $0xFFFFFC00, v5  }
0x1f6: {  	v4 =	vor.u32 v4, v5  }
0x1f7: {  	v4 =	vadd.s32 v3, v4;
	_ =	sdelay $0x4  }
0x1f8: {  	[tilespmem:v4+s23+$0x0] =	vst.idx.msk $0xffff, v0  }
0x1f9: {  	v4 =	vld [tilespmem:$0x1A0];
	_ =	sdelay $0x4  }
0x1fa: {  	v5 =	vshll.u32 v4, $0x3  }
0x1fb: {  	v4 =	vand.u32 $0x7F, v4;
	v5 =	vand.u32 $0xFFFFFC00, v5  }
0x1fc: {  	v4 =	vor.u32 v4, v5  }
0x1fd: {  	v4 =	vadd.s32 v1, v4;
	_ =	sdelay $0x4  }
0x1fe: {  	[tilespmem:v4+s23+$0x0] =	vst.idx.msk $0xffff, v2  }
0x1ff: {  	v4 =	vld [tilespmem:$0x1B0];
	_ =	sdelay $0x4  }
0x200: {  	v5 =	vshll.u32 v4, $0x3  }
0x201: {  	v4 =	vand.u32 $0x7F, v4;
	v5 =	vand.u32 $0xFFFFFC00, v5  }
0x202: {  	v4 =	vor.u32 v4, v5  }
0x203: {  	v4 =	vadd.s32 v3, v4;
	_ =	sdelay $0x4  }
0x204: {  	[tilespmem:v4+s23+$0x0] =	vst.idx.msk $0xffff, v2  }
0x205: {  	[hbm4b:s17+s2] =	stream.linear.scatter [tilespmem:s23], [sflag:$0x2], $0x8000, $0x38;
	[tilespmem:$0x10200] =	vst v63  }
0x206: {  	_ =	swait.ge [sflag:s24], $0x8000  }
0x207: {  	[sflag:s24] =	ssyncset.done $0x0  }
0x208: {  	[sflag:s24] =	ssyncadd.s32 $0xFFFF8000  }
0x209: {  	v4 =	vld [tilespmem:$0x180];
	_ =	sdelay $0x4  }
0x20a: {  	v5 =	vshll.u32 v4, $0x3  }
0x20b: {  	v4 =	vand.u32 $0x7F, v4;
	v5 =	vand.u32 $0xFFFFFC00, v5  }
0x20c: {  	v4 =	vor.u32 v4, v5  }
0x20d: {  	v4 =	vadd.s32 v1, v4;
	_ =	sdelay $0x4  }
0x20e: {  	[tilespmem:v4+s22+$0x0] =	vst.idx.msk $0xffff, v0  }
0x20f: {  	v4 =	vld [tilespmem:$0x190];
	_ =	sdelay $0x4  }
0x210: {  	v5 =	vshll.u32 v4, $0x3  }
0x211: {  	v4 =	vand.u32 $0x7F, v4;
	v5 =	vand.u32 $0xFFFFFC00, v5  }
0x212: {  	v4 =	vor.u32 v4, v5  }
0x213: {  	v4 =	vadd.s32 v3, v4;
	_ =	sdelay $0x4  }
0x214: {  	[tilespmem:v4+s22+$0x0] =	vst.idx.msk $0xffff, v0  }
0x215: {  	v4 =	vld [tilespmem:$0x1C0];
	_ =	sdelay $0x4  }
0x216: {  	v5 =	vshll.u32 v4, $0x3  }
0x217: {  	v4 =	vand.u32 $0x7F, v4;
	v5 =	vand.u32 $0xFFFFFC00, v5  }
0x218: {  	v4 =	vor.u32 v4, v5  }
0x219: {  	v4 =	vadd.s32 v1, v4;
	_ =	sdelay $0x4  }
0x21a: {  	[tilespmem:v4+s22+$0x0] =	vst.idx.msk $0xffff, v2  }
0x21b: {  	v4 =	vld [tilespmem:$0x1D0];
	_ =	sdelay $0x4  }
0x21c: {  	v5 =	vshll.u32 v4, $0x3  }
0x21d: {  	v4 =	vand.u32 $0x7F, v4;
	v5 =	vand.u32 $0xFFFFFC00, v5  }
0x21e: {  	v4 =	vor.u32 v4, v5  }
0x21f: {  	v4 =	vadd.s32 v3, v4;
	_ =	sdelay $0x4  }
0x220: {  	[tilespmem:v4+s22+$0x0] =	vst.idx.msk $0xffff, v2  }
0x221: {  	[hbm4b:s18+s2] =	stream.linear.scatter [tilespmem:s22], [sflag:$0x1], $0x8000, $0x38;
	[tilespmem:$0x10200] =	vst v63  }
0x222: {  	_ =	swait.ge [sflag:s25], $0x8000  }
0x223: {  	[sflag:s25] =	ssyncset.done $0x0  }
0x224: {  	[sflag:s25] =	ssyncadd.s32 $0xFFFF8000  }
0x225: {  	v4 =	vld [tilespmem:$0x1A0];
	_ =	sdelay $0x4  }
0x226: {  	v5 =	vshll.u32 v4, $0x3  }
0x227: {  	v4 =	vand.u32 $0x7F, v4;
	v5 =	vand.u32 $0xFFFFFC00, v5  }
0x228: {  	v4 =	vor.u32 v4, v5  }
0x229: {  	v4 =	vadd.s32 v1, v4;
	_ =	sdelay $0x4  }
0x22a: {  	[tilespmem:v4+s23+$0x0] =	vst.idx.msk $0xffff, v0  }
0x22b: {  	v4 =	vld [tilespmem:$0x1B0];
	_ =	sdelay $0x4  }
0x22c: {  	v5 =	vshll.u32 v4, $0x3  }
0x22d: {  	v4 =	vand.u32 $0x7F, v4;
	v5 =	vand.u32 $0xFFFFFC00, v5  }
0x22e: {  	v4 =	vor.u32 v4, v5  }
0x22f: {  	v4 =	vadd.s32 v3, v4;
	_ =	sdelay $0x4  }
0x230: {  	[tilespmem:v4+s23+$0x0] =	vst.idx.msk $0xffff, v0  }
0x231: {  	v4 =	vld [tilespmem:$0x1E0];
	_ =	sdelay $0x4  }
0x232: {  	v5 =	vshll.u32 v4, $0x3  }
0x233: {  	v4 =	vand.u32 $0x7F, v4;
	v5 =	vand.u32 $0xFFFFFC00, v5  }
0x234: {  	v4 =	vor.u32 v4, v5  }
0x235: {  	v4 =	vadd.s32 v1, v4;
	_ =	sdelay $0x4  }
0x236: {  	[tilespmem:v4+s23+$0x0] =	vst.idx.msk $0xffff, v2  }
0x237: {  	v4 =	vld [tilespmem:$0x1F0];
	_ =	sdelay $0x4  }
0x238: {  	v5 =	vshll.u32 v4, $0x3  }
0x239: {  	v4 =	vand.u32 $0x7F, v4;
	v5 =	vand.u32 $0xFFFFFC00, v5  }
0x23a: {  	v4 =	vor.u32 v4, v5  }
0x23b: {  	v4 =	vadd.s32 v3, v4;
	_ =	sdelay $0x4  }
0x23c: {  	s26 =	sadd.s32 $0x1, s26;
	[tilespmem:v4+s23+$0x0] =	vst.idx.msk $0xffff, v2  }
0x23d: {  	[hbm4b:s19+s2] =	stream.linear.scatter [tilespmem:s23], [sflag:$0x2], $0x8000, $0x38;
	[tilespmem:$0x10200] =	vst v63  }
0x23e: {  	p0 =	sne.s32 s26, s20;
	_ =	swait.ge [sflag:s24], $0x8000  }
.Ltmp2:
0x23f: {  	[sflag:s24] =	ssyncset.done $0x0;
	(pc) =	sbr.rel @p0 .LBB2_1-.Ltmp2, $4  }
0x240: {  	[sflag:s24] =	ssyncadd.s32 $0xFFFF8000  }
0x241: {  	_ =	swait.ge [sflag:s25], $0x8000  }
0x242: {  	[sflag:s25] =	ssyncset.done $0x0  }
0x243: {  	[sflag:s25] =	ssyncadd.s32 $0xFFFF8000  }
0x244: {  	_ =	sfence.sel $0x180000  }
0x245: {  	[bflag:$0x0] =	sbarrier.arrive $0xFFFF  }
0x246: {  	_ =	strace $0x90000047  }
0x247: {  	s0 =	stileid.u32;
	[bflag:$0x2] =	sbarrier.arrive $0xFFFF  }
0x248: {  	p0 =	sne.s32 s0, $0x0;
	s0 =	rddreg [dreg:$0x2]  }
0x249: {  	s0 =	sadd.s32 @!p0 $0x100000, s0  }
0x24a: {  	[sflag:s0] =	ssyncadd.tile.s32 @!p0 $0x1;
	_ =	shalt  }
.Lfunc_end2:
_tile_overlayer_lowered:
.L_overlay_start_2:
0x24b: {  	(tag) =	ssettag $0x2  }
0x24c: {  	s0 =	rddreg [dreg:$0x0];
	s2 =	stileid.u32  }
0x24d: {  	s1 =	rddreg [dreg:$0x1];
	p0 =	sne.s32 s2, $0x0  }
0x24e: {  	s3 =	rddreg [dreg:$0x2];
	[bflag:$0x3] =	sbarrier.arrive $0xFFFF;
	s2 =	simm.s32 @!p0 $0x1C03  }
0x24f: {  	[timem:s3], [sflag:s2] =	dma.local @!p0 [hbm:s0], s1  }
0x250: {  	s0 =	simm.s32 @!p0 $0x3  }
0x251: {  	_ =	swait.ge @!p0 [sflag:s0], s1  }
0x252: {  	s1 =	ssub.s32 @!p0 $0x0, s1;
	[sflag:s0] =	ssyncset.done @!p0 $0x0  }
0x253: {  	[sflag:s0] =	ssyncadd.s32 @!p0 s1  }
0x254: {  	[bflag:$0x3] =	sbarrier.arrive $0xFFFF  }
0x255: {  	_ =	shalt  }

</sc_bundles>
